<compile_context>
chip_gen: v7x
topology: tpu7x:2x2x1
jax: 0.10.2.dev20260603
libtpu: 0.0.44.dev20260713+nightly
codegen_flags: <defaults>
</compile_context>

<pallas_src>
import functools

import jax
import jax.numpy as jnp
from jax import lax
from jax.experimental import pallas as pl
from jax.experimental.pallas import tpu as pltpu
from jax.experimental.pallas import tpu_sc as plsc

N = 10000
E = 320000
D = 128
DH = D // 2

NC = 2
NS = 16
C = 128
CHUNKS = 160
EPT = C * CHUNKS
E_PAD = NS * EPT
N_ACC = 10112
RPT = N_ACC // NS
DEGW = 8


def _sc_aggregate(with_deg):
    mesh = plsc.VectorSubcoreMesh(core_axis_name="c", subcore_axis_name="s")

    out_type = [
        jax.ShapeDtypeStruct((NC, N_ACC, DH), jnp.float32),
    ]
    if with_deg:
        out_type.append(jax.ShapeDtypeStruct((NC, N_ACC, DEGW), jnp.float32))

    scratch = [
        pltpu.VMEM((CHUNKS, C), jnp.int32),
        pltpu.VMEM((CHUNKS, C), jnp.int32),
        pltpu.VMEM((C, DH), jnp.float32),
        pltpu.VMEM((C, DH), jnp.float32),
        pltpu.VMEM_SHARED((N_ACC, DH), jnp.float32),
        pltpu.SemaphoreType.DMA,
        pltpu.SemaphoreType.DMA,
    ]
    if with_deg:
        scratch.append(pltpu.VMEM((C, DEGW), jnp.float32))
        scratch.append(pltpu.VMEM_SHARED((N_ACC, DEGW), jnp.float32))

    def body(h2_hbm, src_hbm, dst_hbm, z1_hbm, z2_hbm, ones_hbm,
             p_out, *rest):
        if with_deg:
            (deg_out, src_v, dst_v, rows0, rows1, accum, sem0, sem1,
             ones_v, dega) = rest
        else:
            (src_v, dst_v, rows0, rows1, accum, sem0, sem1) = rest
        core = lax.axis_index("c")
        sub = lax.axis_index("s")
        rows = (rows0, rows1)
        sems = (sem0, sem1)
        table = h2_hbm.at[core]

        r0 = pl.multiple_of(sub * RPT, 8)
        pltpu.sync_copy(z1_hbm, accum.at[pl.ds(r0, RPT)])
        if with_deg:
            pltpu.sync_copy(z2_hbm, dega.at[pl.ds(r0, RPT)])
            pltpu.sync_copy(ones_hbm, ones_v)
        pltpu.sync_copy(src_hbm.at[sub], src_v)
        pltpu.sync_copy(dst_hbm.at[sub], dst_v)
        plsc.subcore_barrier()

        def issue(c_idx, b):
            pltpu.async_copy(table.at[src_v.at[c_idx]], rows[b], sems[b])

        def wait(c_idx, b):
            pltpu.make_async_copy(table.at[src_v.at[c_idx]], rows[b],
                                  sems[b]).wait()

        def scatter(c_idx, b):
            pltpu.sync_copy(rows[b], accum.at[dst_v.at[c_idx]], add=True)
            if with_deg:
                pltpu.sync_copy(ones_v, dega.at[dst_v.at[c_idx]], add=True)

        issue(0, 0)
        issue(1, 1)

        def loop_body(g, carry):
            for b in range(2):
                c_idx = g * 2 + b
                wait(c_idx, b)
                issue(c_idx + 2, b)
                scatter(c_idx, b)
            return carry

        lax.fori_loop(0, (CHUNKS - 2) // 2, loop_body, 0, unroll=2)
        for b in range(2):
            c_idx = CHUNKS - 2 + b
            wait(c_idx, b)
            scatter(c_idx, b)

        plsc.subcore_barrier()
        pltpu.sync_copy(accum.at[pl.ds(r0, RPT)],
                        p_out.at[core, pl.ds(r0, RPT)])
        if with_deg:
            pltpu.sync_copy(dega.at[pl.ds(r0, RPT)],
                            deg_out.at[core, pl.ds(r0, RPT)])

    return pl.kernel(body, out_type=out_type, mesh=mesh,
                     scratch_types=scratch,
                     compiler_params=pltpu.CompilerParams(
                         use_tc_tiling_on_sc=False))


_sc_layer1 = _sc_aggregate(with_deg=True)
_sc_layer2 = _sc_aggregate(with_deg=False)


def _tc_combine_body(relu, split_out, p_ref, deg_ref, w_ref, b_ref, o_ref):
    deg = deg_ref[0, :N, 0:1]
    deg = jnp.maximum(deg, 1.0)
    acc = (jnp.dot(p_ref[0, :N], w_ref[:DH],
                   preferred_element_type=jnp.float32)
           + jnp.dot(p_ref[1, :N], w_ref[DH:],
                     preferred_element_type=jnp.float32))
    res = acc / deg + b_ref[...]
    if relu:
        res = jnp.maximum(res, 0.0)
    if split_out:
        o_ref[0] = res[:, :DH]
        o_ref[1] = res[:, DH:]
    else:
        o_ref[...] = res


def _tc_combine(p, deg, w, b, relu, split_out):
    if split_out:
        out_shape = jax.ShapeDtypeStruct((NC, N, DH), jnp.float32)
    else:
        out_shape = jax.ShapeDtypeStruct((N, D), jnp.float32)
    return pl.pallas_call(
        functools.partial(_tc_combine_body, relu, split_out),
        out_shape=out_shape,
    )(p, deg, w, b.reshape(1, D))


def kernel(x, edge_index, W1, b1, W2, b2):
    src = edge_index[0]
    dst = edge_index[1]
    npad = E_PAD - E
    src_p = jnp.concatenate([src, jnp.zeros((npad,), jnp.int32)])
    dst_p = jnp.concatenate(
        [dst, N + (jnp.arange(npad, dtype=jnp.int32) % (N_ACC - N))])
    src3 = src_p.reshape(NS, CHUNKS, C)
    dst3 = dst_p.reshape(NS, CHUNKS, C)

    x2 = jnp.stack([x[:, :DH], x[:, DH:]])
    z1 = jnp.zeros((RPT, DH), jnp.float32)
    z2 = jnp.zeros((RPT, DEGW), jnp.float32)
    ones = jnp.ones((C, DEGW), jnp.float32)

    p1, deg = _sc_layer1(x2, src3, dst3, z1, z2, ones)
    h2 = _tc_combine(p1, deg, W1, b1, relu=True, split_out=True)
    (p2,) = _sc_layer2(h2, src3, dst3, z1, z2, ones)
    out = _tc_combine(p2, deg, W2, b2, relu=False, split_out=False)
    return out

# --- scband reference (transcript-rebuilt; emitter-appended) ---
"""Pipeline reference for scband-dglgcnmodel-11081015623722 (READ-ONLY COPY).

The authoritative reference and input builder live on the scoring server;
editing this copy changes nothing except your own understanding.
"""

import jax, jax.numpy as jnp
import numpy as np

N = 10000
E = 320000
D_IN = 128
D_H = 128
D_OUT = 128


def setup_inputs(seed: int = 0) -> dict:
    key = jax.random.key(seed)
    k1, k2, k3, k4, k5, k6 = jax.random.split(key, 6)
    x = jax.random.normal(k1, (N, D_IN), dtype=jnp.float32)
    edge_index = jax.random.randint(k2, (2, E), 0, N, dtype=jnp.int32)
    # GraphConv weights (glorot-style init) and biases
    W1 = jax.random.normal(k3, (D_IN, D_H), dtype=jnp.float32) * (1.0 / np.sqrt(D_IN))
    b1 = jnp.zeros((D_H,), dtype=jnp.float32)
    W2 = jax.random.normal(k4, (D_H, D_OUT), dtype=jnp.float32) * (1.0 / np.sqrt(D_H))
    b2 = jnp.zeros((D_OUT,), dtype=jnp.float32)
    return {"x": x, "edge_index": edge_index, "W1": W1, "b1": b1, "W2": W2, "b2": b2}


def _graph_conv_right(h, src, dst, W, b):
    # DGL GraphConv with norm='right': aggregate neighbor features by sum,
    # divide by in-degree (clamped to min 1), then apply linear transform.
    msg = h[src]  # gather source-node features per edge
    agg = jax.ops.segment_sum(msg, dst, num_segments=N)
    deg = jax.ops.segment_sum(jnp.ones((E,), dtype=h.dtype), dst, num_segments=N)
    deg = jnp.clip(deg, 1.0, None)
    rst = agg / deg[:, None]
    return rst @ W + b


def reference(x, edge_index, W1, b1, W2, b2):
    src = edge_index[0]
    dst = edge_index[1]
    h = _graph_conv_right(x, src, dst, W1, b1)
    # activation = Dropout(0.5) -> identity at inference, then ReLU
    h = jax.nn.relu(h)
    out = _graph_conv_right(h, src, dst, W2, b2)
    return out

if __name__ == "__main__":
    import jax
    _d = setup_inputs()
    print(jax.jit(kernel)(*tuple(_d.values())))

</pallas_src>

<mosaic_0001>
#map = affine_map<(d0, d1) -> (0, 0, 0)>
#map1 = affine_map<(d0, d1) -> (0, 0)>
module attributes {stable_mosaic.version = 14 : i64} {
  func.func @body(%arg0: i32, %arg1: i32, %arg2: memref<2x10000x64xf32, #tpu.memory_space<hbm>>, %arg3: memref<16x160x128xi32, #tpu.memory_space<hbm>>, %arg4: memref<16x160x128xi32, #tpu.memory_space<hbm>>, %arg5: memref<632x64xf32, #tpu.memory_space<hbm>>, %arg6: memref<632x8xf32, #tpu.memory_space<hbm>>, %arg7: memref<128x8xf32, #tpu.memory_space<hbm>>, %arg8: memref<2x10112x64xf32, #tpu.memory_space<hbm>>, %arg9: memref<2x10112x8xf32, #tpu.memory_space<hbm>>, %arg10: memref<160x128xi32, #tpu.memory_space<vmem>>, %arg11: memref<160x128xi32, #tpu.memory_space<vmem>>, %arg12: memref<128x64xf32, #tpu.memory_space<vmem>>, %arg13: memref<128x64xf32, #tpu.memory_space<vmem>>, %arg14: memref<10112x64xf32, #tpu.memory_space<vmem_shared>>, %arg15: memref<!tpu.dma_semaphore, #tpu.memory_space<semaphore_mem>>, %arg16: memref<!tpu.dma_semaphore, #tpu.memory_space<semaphore_mem>>, %arg17: memref<128x8xf32, #tpu.memory_space<vmem>>, %arg18: memref<10112x8xf32, #tpu.memory_space<vmem_shared>>) attributes {dimension_semantics = [#tpu.dimension_semantics<core_parallel>, #tpu.dimension_semantics<subcore_parallel>], iteration_bounds = array<i64: 2, 16>, scalar_prefetch = 0 : i64, scratch_operands = 9 : i64, tpu.core_type = #tpu.core_type<sc_vector_subcore>, window_params = [{transform_indices = #map}, {transform_indices = #map}, {transform_indices = #map}, {transform_indices = #map1}, {transform_indices = #map1}, {transform_indices = #map1}, {transform_indices = #map}, {transform_indices = #map}]} {
    %mul3A = arith.constant 632 : i32
    %mul3A_0 = arith.muli %arg1, %mul3A : i32
    %multiple_of3A = tpu.assume_multiple %mul3A_0, 8 : i32
    "tpu.region"() ({
      %run_scoped3A_105 = tpu.sem_alloc : memref<!tpu.dma_semaphore, #tpu.memory_space<semaphore_mem>>
      %dma_start3A_106 = arith.constant 0 : i32
      %dma_start3A_107 = tpu.memref_slice %arg14[%multiple_of3A, %dma_start3A_106] : memref<10112x64xf32, #tpu.memory_space<vmem_shared>> -> memref<632x64xf32, #tpu.memory_space<vmem_shared>>
      tpu.enqueue_dma source(%arg5 : memref<632x64xf32, #tpu.memory_space<hbm>>) target(%dma_start3A_107 : memref<632x64xf32, #tpu.memory_space<vmem_shared>>) target_semaphore(%run_scoped3A_105 : memref<!tpu.dma_semaphore, #tpu.memory_space<semaphore_mem>>)
      %dma_wait3A_108 = arith.constant 0 : i32
      %dma_wait3A_109 = tpu.memref_slice %arg14[%multiple_of3A, %dma_wait3A_108] : memref<10112x64xf32, #tpu.memory_space<vmem_shared>> -> memref<632x64xf32, #tpu.memory_space<vmem_shared>>
      tpu.wait_dma2 semaphore(%run_scoped3A_105 : memref<!tpu.dma_semaphore, #tpu.memory_space<semaphore_mem>>) src(%arg5 : memref<632x64xf32, #tpu.memory_space<hbm>>) dst(%dma_wait3A_109 : memref<632x64xf32, #tpu.memory_space<vmem_shared>>)
      tpu.yield
    }) : () -> ()
    "tpu.region"() ({
      %run_scoped3A_105 = tpu.sem_alloc : memref<!tpu.dma_semaphore, #tpu.memory_space<semaphore_mem>>
      %dma_start3A_106 = arith.constant 0 : i32
      %dma_start3A_107 = tpu.memref_slice %arg18[%multiple_of3A, %dma_start3A_106] : memref<10112x8xf32, #tpu.memory_space<vmem_shared>> -> memref<632x8xf32, #tpu.memory_space<vmem_shared>>
      tpu.enqueue_dma source(%arg6 : memref<632x8xf32, #tpu.memory_space<hbm>>) target(%dma_start3A_107 : memref<632x8xf32, #tpu.memory_space<vmem_shared>>) target_semaphore(%run_scoped3A_105 : memref<!tpu.dma_semaphore, #tpu.memory_space<semaphore_mem>>)
      %dma_wait3A_108 = arith.constant 0 : i32
      %dma_wait3A_109 = tpu.memref_slice %arg18[%multiple_of3A, %dma_wait3A_108] : memref<10112x8xf32, #tpu.memory_space<vmem_shared>> -> memref<632x8xf32, #tpu.memory_space<vmem_shared>>
      tpu.wait_dma2 semaphore(%run_scoped3A_105 : memref<!tpu.dma_semaphore, #tpu.memory_space<semaphore_mem>>) src(%arg6 : memref<632x8xf32, #tpu.memory_space<hbm>>) dst(%dma_wait3A_109 : memref<632x8xf32, #tpu.memory_space<vmem_shared>>)
      tpu.yield
    }) : () -> ()
    "tpu.region"() ({
      %run_scoped3A_105 = tpu.sem_alloc : memref<!tpu.dma_semaphore, #tpu.memory_space<semaphore_mem>>
      tpu.enqueue_dma source(%arg7 : memref<128x8xf32, #tpu.memory_space<hbm>>) target(%arg17 : memref<128x8xf32, #tpu.memory_space<vmem>>) target_semaphore(%run_scoped3A_105 : memref<!tpu.dma_semaphore, #tpu.memory_space<semaphore_mem>>)
      tpu.wait_dma2 semaphore(%run_scoped3A_105 : memref<!tpu.dma_semaphore, #tpu.memory_space<semaphore_mem>>) src(%arg7 : memref<128x8xf32, #tpu.memory_space<hbm>>) dst(%arg17 : memref<128x8xf32, #tpu.memory_space<vmem>>)
      tpu.yield
    }) : () -> ()
    "tpu.region"() ({
      %run_scoped3A_105 = tpu.sem_alloc : memref<!tpu.dma_semaphore, #tpu.memory_space<semaphore_mem>>
      %dma_start3A_106 = arith.constant 0 : i32
      %dma_start3A_107 = arith.constant 0 : i32
      %dma_start3A_108 = tpu.memref_slice %arg3[%arg1, %dma_start3A_106, %dma_start3A_107] : memref<16x160x128xi32, #tpu.memory_space<hbm>> -> memref<1x160x128xi32, #tpu.memory_space<hbm>>
      %dma_start3A_109 = tpu.memref_squeeze %dma_start3A_108 : memref<1x160x128xi32, #tpu.memory_space<hbm>> -> memref<160x128xi32, #tpu.memory_space<hbm>>
      %dma_start3A_110 = arith.constant 0 : i32
      %dma_start3A_111 = arith.constant 0 : i32
      %dma_start3A_112 = tpu.memref_slice %arg3[%arg1, %dma_start3A_110, %dma_start3A_111] : memref<16x160x128xi32, #tpu.memory_space<hbm>> -> memref<1x160x128xi32, #tpu.memory_space<hbm>>
      %dma_start3A_113 = tpu.memref_squeeze %dma_start3A_112 : memref<1x160x128xi32, #tpu.memory_space<hbm>> -> memref<160x128xi32, #tpu.memory_space<hbm>>
      tpu.enqueue_dma source(%dma_start3A_113 : memref<160x128xi32, #tpu.memory_space<hbm>>) target(%arg10 : memref<160x128xi32, #tpu.memory_space<vmem>>) target_semaphore(%run_scoped3A_105 : memref<!tpu.dma_semaphore, #tpu.memory_space<semaphore_mem>>)
      %dma_wait3A_114 = arith.constant 0 : i32
      %dma_wait3A_115 = arith.constant 0 : i32
      %dma_wait3A_116 = tpu.memref_slice %arg3[%arg1, %dma_wait3A_114, %dma_wait3A_115] : memref<16x160x128xi32, #tpu.memory_space<hbm>> -> memref<1x160x128xi32, #tpu.memory_space<hbm>>
      %dma_wait3A_117 = tpu.memref_squeeze %dma_wait3A_116 : memref<1x160x128xi32, #tpu.memory_space<hbm>> -> memref<160x128xi32, #tpu.memory_space<hbm>>
      %dma_wait3A_118 = arith.constant 0 : i32
      %dma_wait3A_119 = arith.constant 0 : i32
      %dma_wait3A_120 = tpu.memref_slice %arg3[%arg1, %dma_wait3A_118, %dma_wait3A_119] : memref<16x160x128xi32, #tpu.memory_space<hbm>> -> memref<1x160x128xi32, #tpu.memory_space<hbm>>
      %dma_wait3A_121 = tpu.memref_squeeze %dma_wait3A_120 : memref<1x160x128xi32, #tpu.memory_space<hbm>> -> memref<160x128xi32, #tpu.memory_space<hbm>>
      tpu.wait_dma2 semaphore(%run_scoped3A_105 : memref<!tpu.dma_semaphore, #tpu.memory_space<semaphore_mem>>) src(%dma_wait3A_121 : memref<160x128xi32, #tpu.memory_space<hbm>>) dst(%arg10 : memref<160x128xi32, #tpu.memory_space<vmem>>)
      tpu.yield
    }) : () -> ()
    "tpu.region"() ({
      %run_scoped3A_105 = tpu.sem_alloc : memref<!tpu.dma_semaphore, #tpu.memory_space<semaphore_mem>>
      %dma_start3A_106 = arith.constant 0 : i32
      %dma_start3A_107 = arith.constant 0 : i32
      %dma_start3A_108 = tpu.memref_slice %arg4[%arg1, %dma_start3A_106, %dma_start3A_107] : memref<16x160x128xi32, #tpu.memory_space<hbm>> -> memref<1x160x128xi32, #tpu.memory_space<hbm>>
      %dma_start3A_109 = tpu.memref_squeeze %dma_start3A_108 : memref<1x160x128xi32, #tpu.memory_space<hbm>> -> memref<160x128xi32, #tpu.memory_space<hbm>>
      %dma_start3A_110 = arith.constant 0 : i32
      %dma_start3A_111 = arith.constant 0 : i32
      %dma_start3A_112 = tpu.memref_slice %arg4[%arg1, %dma_start3A_110, %dma_start3A_111] : memref<16x160x128xi32, #tpu.memory_space<hbm>> -> memref<1x160x128xi32, #tpu.memory_space<hbm>>
      %dma_start3A_113 = tpu.memref_squeeze %dma_start3A_112 : memref<1x160x128xi32, #tpu.memory_space<hbm>> -> memref<160x128xi32, #tpu.memory_space<hbm>>
      tpu.enqueue_dma source(%dma_start3A_113 : memref<160x128xi32, #tpu.memory_space<hbm>>) target(%arg11 : memref<160x128xi32, #tpu.memory_space<vmem>>) target_semaphore(%run_scoped3A_105 : memref<!tpu.dma_semaphore, #tpu.memory_space<semaphore_mem>>)
      %dma_wait3A_114 = arith.constant 0 : i32
      %dma_wait3A_115 = arith.constant 0 : i32
      %dma_wait3A_116 = tpu.memref_slice %arg4[%arg1, %dma_wait3A_114, %dma_wait3A_115] : memref<16x160x128xi32, #tpu.memory_space<hbm>> -> memref<1x160x128xi32, #tpu.memory_space<hbm>>
      %dma_wait3A_117 = tpu.memref_squeeze %dma_wait3A_116 : memref<1x160x128xi32, #tpu.memory_space<hbm>> -> memref<160x128xi32, #tpu.memory_space<hbm>>
      %dma_wait3A_118 = arith.constant 0 : i32
      %dma_wait3A_119 = arith.constant 0 : i32
      %dma_wait3A_120 = tpu.memref_slice %arg4[%arg1, %dma_wait3A_118, %dma_wait3A_119] : memref<16x160x128xi32, #tpu.memory_space<hbm>> -> memref<1x160x128xi32, #tpu.memory_space<hbm>>
      %dma_wait3A_121 = tpu.memref_squeeze %dma_wait3A_120 : memref<1x160x128xi32, #tpu.memory_space<hbm>> -> memref<160x128xi32, #tpu.memory_space<hbm>>
      tpu.wait_dma2 semaphore(%run_scoped3A_105 : memref<!tpu.dma_semaphore, #tpu.memory_space<semaphore_mem>>) src(%dma_wait3A_121 : memref<160x128xi32, #tpu.memory_space<hbm>>) dst(%arg11 : memref<160x128xi32, #tpu.memory_space<vmem>>)
      tpu.yield
    }) : () -> ()
    %barrier3A = arith.constant 0 : index
    tpu.barrier barrier_id(%barrier3A)
    %dma_start3A = arith.constant 0 : i32
    %dma_start3A_1 = arith.constant 0 : i32
    %dma_start3A_2 = tpu.memref_slice %arg10[%dma_start3A, %dma_start3A_1] : memref<160x128xi32, #tpu.memory_space<vmem>> -> memref<1x128xi32, #tpu.memory_space<vmem>>
    %dma_start3A_3 = tpu.memref_squeeze %dma_start3A_2 : memref<1x128xi32, #tpu.memory_space<vmem>> -> memref<128xi32, #tpu.memory_space<vmem>>
    %dma_start3A_4 = arith.constant 0 : i32
    %dma_start3A_5 = arith.constant 0 : i32
    %dma_start3A_6 = tpu.memref_slice %arg2[%arg0, %dma_start3A_4, %dma_start3A_5] : memref<2x10000x64xf32, #tpu.memory_space<hbm>> -> memref<1x10000x64xf32, #tpu.memory_space<hbm>>
    %dma_start3A_7 = tpu.memref_squeeze %dma_start3A_6 : memref<1x10000x64xf32, #tpu.memory_space<hbm>> -> memref<10000x64xf32, #tpu.memory_space<hbm>>
    %dma_start3A_8 = arith.constant 0 : i32
    %dma_start3A_9 = arith.constant 0 : i32
    %dma_start3A_10 = tpu.memref_slice %dma_start3A_7[%dma_start3A_8, %dma_start3A_9] : memref<10000x64xf32, #tpu.memory_space<hbm>> -> memref<10000x64xf32, #tpu.memory_space<hbm>>
    tpu.enqueue_indirect_dma source(%dma_start3A_10 : memref<10000x64xf32, #tpu.memory_space<hbm>>) target(%arg12 : memref<128x64xf32, #tpu.memory_space<vmem>>) offsets(%dma_start3A_3 : memref<128xi32, #tpu.memory_space<vmem>>) semaphore(%arg15 : memref<!tpu.dma_semaphore, #tpu.memory_space<semaphore_mem>>)
    %dma_start3A_11 = arith.constant 1 : i32
    %dma_start3A_12 = arith.constant 0 : i32
    %dma_start3A_13 = tpu.memref_slice %arg10[%dma_start3A_11, %dma_start3A_12] : memref<160x128xi32, #tpu.memory_space<vmem>> -> memref<1x128xi32, #tpu.memory_space<vmem>>
    %dma_start3A_14 = tpu.memref_squeeze %dma_start3A_13 : memref<1x128xi32, #tpu.memory_space<vmem>> -> memref<128xi32, #tpu.memory_space<vmem>>
    %dma_start3A_15 = arith.constant 0 : i32
    %dma_start3A_16 = arith.constant 0 : i32
    %dma_start3A_17 = tpu.memref_slice %arg2[%arg0, %dma_start3A_15, %dma_start3A_16] : memref<2x10000x64xf32, #tpu.memory_space<hbm>> -> memref<1x10000x64xf32, #tpu.memory_space<hbm>>
    %dma_start3A_18 = tpu.memref_squeeze %dma_start3A_17 : memref<1x10000x64xf32, #tpu.memory_space<hbm>> -> memref<10000x64xf32, #tpu.memory_space<hbm>>
    %dma_start3A_19 = arith.constant 0 : i32
    %dma_start3A_20 = arith.constant 0 : i32
    %dma_start3A_21 = tpu.memref_slice %dma_start3A_18[%dma_start3A_19, %dma_start3A_20] : memref<10000x64xf32, #tpu.memory_space<hbm>> -> memref<10000x64xf32, #tpu.memory_space<hbm>>
    tpu.enqueue_indirect_dma source(%dma_start3A_21 : memref<10000x64xf32, #tpu.memory_space<hbm>>) target(%arg13 : memref<128x64xf32, #tpu.memory_space<vmem>>) offsets(%dma_start3A_14 : memref<128xi32, #tpu.memory_space<vmem>>) semaphore(%arg16 : memref<!tpu.dma_semaphore, #tpu.memory_space<semaphore_mem>>)
    %scan3A = arith.constant 0 : i32
    %scan3A_22 = arith.constant 0 : i32
    %scan3A_23 = arith.constant 78 : i32
    %scan3A_24 = arith.addi %scan3A_22, %scan3A_23 : i32
    %scan3A_25 = arith.constant 2 : i32
    scf.for %scan3A_105 = %scan3A_22 to %scan3A_24 step %scan3A_25  : i32 {
      %mul3A_106 = arith.constant 2 : i32
      %mul3A_107 = arith.muli %scan3A_105, %mul3A_106 : i32
      %add3A_108 = arith.constant 0 : i32
      %add3A_109 = arith.addi %mul3A_107, %add3A_108 : i32
      %dma_wait3A_110 = arith.constant 0 : i32
      %dma_wait3A_111 = tpu.memref_slice %arg10[%add3A_109, %dma_wait3A_110] : memref<160x128xi32, #tpu.memory_space<vmem>> -> memref<1x128xi32, #tpu.memory_space<vmem>>
      %dma_wait3A_112 = tpu.memref_squeeze %dma_wait3A_111 : memref<1x128xi32, #tpu.memory_space<vmem>> -> memref<128xi32, #tpu.memory_space<vmem>>
      %dma_wait3A_113 = arith.constant 0 : i32
      %dma_wait3A_114 = arith.constant 0 : i32
      %dma_wait3A_115 = tpu.memref_slice %arg2[%arg0, %dma_wait3A_113, %dma_wait3A_114] : memref<2x10000x64xf32, #tpu.memory_space<hbm>> -> memref<1x10000x64xf32, #tpu.memory_space<hbm>>
      %dma_wait3A_116 = tpu.memref_squeeze %dma_wait3A_115 : memref<1x10000x64xf32, #tpu.memory_space<hbm>> -> memref<10000x64xf32, #tpu.memory_space<hbm>>
      %dma_wait3A_117 = arith.constant 0 : i32
      %dma_wait3A_118 = arith.constant 0 : i32
      %dma_wait3A_119 = tpu.memref_slice %dma_wait3A_116[%dma_wait3A_117, %dma_wait3A_118] : memref<10000x64xf32, #tpu.memory_space<hbm>> -> memref<10000x64xf32, #tpu.memory_space<hbm>>
      tpu.wait_indirect_dma semaphore(%arg15 : memref<!tpu.dma_semaphore, #tpu.memory_space<semaphore_mem>>) src(%dma_wait3A_119 : memref<10000x64xf32, #tpu.memory_space<hbm>>) dst(%arg12 : memref<128x64xf32, #tpu.memory_space<vmem>>)
      %add3A_120 = arith.constant 2 : i32
      %add3A_121 = arith.addi %add3A_109, %add3A_120 : i32
      %dma_start3A_122 = arith.constant 0 : i32
      %dma_start3A_123 = tpu.memref_slice %arg10[%add3A_121, %dma_start3A_122] : memref<160x128xi32, #tpu.memory_space<vmem>> -> memref<1x128xi32, #tpu.memory_space<vmem>>
      %dma_start3A_124 = tpu.memref_squeeze %dma_start3A_123 : memref<1x128xi32, #tpu.memory_space<vmem>> -> memref<128xi32, #tpu.memory_space<vmem>>
      %dma_start3A_125 = arith.constant 0 : i32
      %dma_start3A_126 = arith.constant 0 : i32
      %dma_start3A_127 = tpu.memref_slice %arg2[%arg0, %dma_start3A_125, %dma_start3A_126] : memref<2x10000x64xf32, #tpu.memory_space<hbm>> -> memref<1x10000x64xf32, #tpu.memory_space<hbm>>
      %dma_start3A_128 = tpu.memref_squeeze %dma_start3A_127 : memref<1x10000x64xf32, #tpu.memory_space<hbm>> -> memref<10000x64xf32, #tpu.memory_space<hbm>>
      %dma_start3A_129 = arith.constant 0 : i32
      %dma_start3A_130 = arith.constant 0 : i32
      %dma_start3A_131 = tpu.memref_slice %dma_start3A_128[%dma_start3A_129, %dma_start3A_130] : memref<10000x64xf32, #tpu.memory_space<hbm>> -> memref<10000x64xf32, #tpu.memory_space<hbm>>
      tpu.enqueue_indirect_dma source(%dma_start3A_131 : memref<10000x64xf32, #tpu.memory_space<hbm>>) target(%arg12 : memref<128x64xf32, #tpu.memory_space<vmem>>) offsets(%dma_start3A_124 : memref<128xi32, #tpu.memory_space<vmem>>) semaphore(%arg15 : memref<!tpu.dma_semaphore, #tpu.memory_space<semaphore_mem>>)
      "tpu.region"() ({
        %run_scoped3A_212 = tpu.sem_alloc : memref<!tpu.dma_semaphore, #tpu.memory_space<semaphore_mem>>
        %dma_start3A_213 = arith.constant 0 : i32
        %dma_start3A_214 = tpu.memref_slice %arg11[%add3A_109, %dma_start3A_213] : memref<160x128xi32, #tpu.memory_space<vmem>> -> memref<1x128xi32, #tpu.memory_space<vmem>>
        %dma_start3A_215 = tpu.memref_squeeze %dma_start3A_214 : memref<1x128xi32, #tpu.memory_space<vmem>> -> memref<128xi32, #tpu.memory_space<vmem>>
        %dma_start3A_216 = arith.constant 0 : i32
        %dma_start3A_217 = arith.constant 0 : i32
        %dma_start3A_218 = tpu.memref_slice %arg14[%dma_start3A_216, %dma_start3A_217] : memref<10112x64xf32, #tpu.memory_space<vmem_shared>> -> memref<10112x64xf32, #tpu.memory_space<vmem_shared>>
        tpu.enqueue_indirect_dma source(%arg12 : memref<128x64xf32, #tpu.memory_space<vmem>>) target(%dma_start3A_218 : memref<10112x64xf32, #tpu.memory_space<vmem_shared>>) offsets(%dma_start3A_215 : memref<128xi32, #tpu.memory_space<vmem>>) semaphore(%run_scoped3A_212 : memref<!tpu.dma_semaphore, #tpu.memory_space<semaphore_mem>>) {add = true}
        %dma_wait3A_219 = arith.constant 0 : i32
        %dma_wait3A_220 = tpu.memref_slice %arg11[%add3A_109, %dma_wait3A_219] : memref<160x128xi32, #tpu.memory_space<vmem>> -> memref<1x128xi32, #tpu.memory_space<vmem>>
        %dma_wait3A_221 = tpu.memref_squeeze %dma_wait3A_220 : memref<1x128xi32, #tpu.memory_space<vmem>> -> memref<128xi32, #tpu.memory_space<vmem>>
        %dma_wait3A_222 = arith.constant 0 : i32
        %dma_wait3A_223 = arith.constant 0 : i32
        %dma_wait3A_224 = tpu.memref_slice %arg14[%dma_wait3A_222, %dma_wait3A_223] : memref<10112x64xf32, #tpu.memory_space<vmem_shared>> -> memref<10112x64xf32, #tpu.memory_space<vmem_shared>>
        tpu.wait_indirect_dma semaphore(%run_scoped3A_212 : memref<!tpu.dma_semaphore, #tpu.memory_space<semaphore_mem>>) src(%arg12 : memref<128x64xf32, #tpu.memory_space<vmem>>) dst(%dma_wait3A_224 : memref<10112x64xf32, #tpu.memory_space<vmem_shared>>)
        tpu.yield
      }) : () -> ()
      "tpu.region"() ({
        %run_scoped3A_212 = tpu.sem_alloc : memref<!tpu.dma_semaphore, #tpu.memory_space<semaphore_mem>>
        %dma_start3A_213 = arith.constant 0 : i32
        %dma_start3A_214 = tpu.memref_slice %arg11[%add3A_109, %dma_start3A_213] : memref<160x128xi32, #tpu.memory_space<vmem>> -> memref<1x128xi32, #tpu.memory_space<vmem>>
        %dma_start3A_215 = tpu.memref_squeeze %dma_start3A_214 : memref<1x128xi32, #tpu.memory_space<vmem>> -> memref<128xi32, #tpu.memory_space<vmem>>
        %dma_start3A_216 = arith.constant 0 : i32
        %dma_start3A_217 = arith.constant 0 : i32
        %dma_start3A_218 = tpu.memref_slice %arg18[%dma_start3A_216, %dma_start3A_217] : memref<10112x8xf32, #tpu.memory_space<vmem_shared>> -> memref<10112x8xf32, #tpu.memory_space<vmem_shared>>
        tpu.enqueue_indirect_dma source(%arg17 : memref<128x8xf32, #tpu.memory_space<vmem>>) target(%dma_start3A_218 : memref<10112x8xf32, #tpu.memory_space<vmem_shared>>) offsets(%dma_start3A_215 : memref<128xi32, #tpu.memory_space<vmem>>) semaphore(%run_scoped3A_212 : memref<!tpu.dma_semaphore, #tpu.memory_space<semaphore_mem>>) {add = true}
        %dma_wait3A_219 = arith.constant 0 : i32
        %dma_wait3A_220 = tpu.memref_slice %arg11[%add3A_109, %dma_wait3A_219] : memref<160x128xi32, #tpu.memory_space<vmem>> -> memref<1x128xi32, #tpu.memory_space<vmem>>
        %dma_wait3A_221 = tpu.memref_squeeze %dma_wait3A_220 : memref<1x128xi32, #tpu.memory_space<vmem>> -> memref<128xi32, #tpu.memory_space<vmem>>
        %dma_wait3A_222 = arith.constant 0 : i32
        %dma_wait3A_223 = arith.constant 0 : i32
        %dma_wait3A_224 = tpu.memref_slice %arg18[%dma_wait3A_222, %dma_wait3A_223] : memref<10112x8xf32, #tpu.memory_space<vmem_shared>> -> memref<10112x8xf32, #tpu.memory_space<vmem_shared>>
        tpu.wait_indirect_dma semaphore(%run_scoped3A_212 : memref<!tpu.dma_semaphore, #tpu.memory_space<semaphore_mem>>) src(%arg17 : memref<128x8xf32, #tpu.memory_space<vmem>>) dst(%dma_wait3A_224 : memref<10112x8xf32, #tpu.memory_space<vmem_shared>>)
        tpu.yield
      }) : () -> ()
      %mul3A_132 = arith.constant 2 : i32
      %mul3A_133 = arith.muli %scan3A_105, %mul3A_132 : i32
      %add3A_134 = arith.constant 1 : i32
      %add3A_135 = arith.addi %mul3A_133, %add3A_134 : i32
      %dma_wait3A_136 = arith.constant 0 : i32
      %dma_wait3A_137 = tpu.memref_slice %arg10[%add3A_135, %dma_wait3A_136] : memref<160x128xi32, #tpu.memory_space<vmem>> -> memref<1x128xi32, #tpu.memory_space<vmem>>
      %dma_wait3A_138 = tpu.memref_squeeze %dma_wait3A_137 : memref<1x128xi32, #tpu.memory_space<vmem>> -> memref<128xi32, #tpu.memory_space<vmem>>
      %dma_wait3A_139 = arith.constant 0 : i32
      %dma_wait3A_140 = arith.constant 0 : i32
      %dma_wait3A_141 = tpu.memref_slice %arg2[%arg0, %dma_wait3A_139, %dma_wait3A_140] : memref<2x10000x64xf32, #tpu.memory_space<hbm>> -> memref<1x10000x64xf32, #tpu.memory_space<hbm>>
      %dma_wait3A_142 = tpu.memref_squeeze %dma_wait3A_141 : memref<1x10000x64xf32, #tpu.memory_space<hbm>> -> memref<10000x64xf32, #tpu.memory_space<hbm>>
      %dma_wait3A_143 = arith.constant 0 : i32
      %dma_wait3A_144 = arith.constant 0 : i32
      %dma_wait3A_145 = tpu.memref_slice %dma_wait3A_142[%dma_wait3A_143, %dma_wait3A_144] : memref<10000x64xf32, #tpu.memory_space<hbm>> -> memref<10000x64xf32, #tpu.memory_space<hbm>>
      tpu.wait_indirect_dma semaphore(%arg16 : memref<!tpu.dma_semaphore, #tpu.memory_space<semaphore_mem>>) src(%dma_wait3A_145 : memref<10000x64xf32, #tpu.memory_space<hbm>>) dst(%arg13 : memref<128x64xf32, #tpu.memory_space<vmem>>)
      %add3A_146 = arith.constant 2 : i32
      %add3A_147 = arith.addi %add3A_135, %add3A_146 : i32
      %dma_start3A_148 = arith.constant 0 : i32
      %dma_start3A_149 = tpu.memref_slice %arg10[%add3A_147, %dma_start3A_148] : memref<160x128xi32, #tpu.memory_space<vmem>> -> memref<1x128xi32, #tpu.memory_space<vmem>>
      %dma_start3A_150 = tpu.memref_squeeze %dma_start3A_149 : memref<1x128xi32, #tpu.memory_space<vmem>> -> memref<128xi32, #tpu.memory_space<vmem>>
      %dma_start3A_151 = arith.constant 0 : i32
      %dma_start3A_152 = arith.constant 0 : i32
      %dma_start3A_153 = tpu.memref_slice %arg2[%arg0, %dma_start3A_151, %dma_start3A_152] : memref<2x10000x64xf32, #tpu.memory_space<hbm>> -> memref<1x10000x64xf32, #tpu.memory_space<hbm>>
      %dma_start3A_154 = tpu.memref_squeeze %dma_start3A_153 : memref<1x10000x64xf32, #tpu.memory_space<hbm>> -> memref<10000x64xf32, #tpu.memory_space<hbm>>
      %dma_start3A_155 = arith.constant 0 : i32
      %dma_start3A_156 = arith.constant 0 : i32
      %dma_start3A_157 = tpu.memref_slice %dma_start3A_154[%dma_start3A_155, %dma_start3A_156] : memref<10000x64xf32, #tpu.memory_space<hbm>> -> memref<10000x64xf32, #tpu.memory_space<hbm>>
      tpu.enqueue_indirect_dma source(%dma_start3A_157 : memref<10000x64xf32, #tpu.memory_space<hbm>>) target(%arg13 : memref<128x64xf32, #tpu.memory_space<vmem>>) offsets(%dma_start3A_150 : memref<128xi32, #tpu.memory_space<vmem>>) semaphore(%arg16 : memref<!tpu.dma_semaphore, #tpu.memory_space<semaphore_mem>>)
      "tpu.region"() ({
        %run_scoped3A_212 = tpu.sem_alloc : memref<!tpu.dma_semaphore, #tpu.memory_space<semaphore_mem>>
        %dma_start3A_213 = arith.constant 0 : i32
        %dma_start3A_214 = tpu.memref_slice %arg11[%add3A_135, %dma_start3A_213] : memref<160x128xi32, #tpu.memory_space<vmem>> -> memref<1x128xi32, #tpu.memory_space<vmem>>
        %dma_start3A_215 = tpu.memref_squeeze %dma_start3A_214 : memref<1x128xi32, #tpu.memory_space<vmem>> -> memref<128xi32, #tpu.memory_space<vmem>>
        %dma_start3A_216 = arith.constant 0 : i32
        %dma_start3A_217 = arith.constant 0 : i32
        %dma_start3A_218 = tpu.memref_slice %arg14[%dma_start3A_216, %dma_start3A_217] : memref<10112x64xf32, #tpu.memory_space<vmem_shared>> -> memref<10112x64xf32, #tpu.memory_space<vmem_shared>>
        tpu.enqueue_indirect_dma source(%arg13 : memref<128x64xf32, #tpu.memory_space<vmem>>) target(%dma_start3A_218 : memref<10112x64xf32, #tpu.memory_space<vmem_shared>>) offsets(%dma_start3A_215 : memref<128xi32, #tpu.memory_space<vmem>>) semaphore(%run_scoped3A_212 : memref<!tpu.dma_semaphore, #tpu.memory_space<semaphore_mem>>) {add = true}
        %dma_wait3A_219 = arith.constant 0 : i32
        %dma_wait3A_220 = tpu.memref_slice %arg11[%add3A_135, %dma_wait3A_219] : memref<160x128xi32, #tpu.memory_space<vmem>> -> memref<1x128xi32, #tpu.memory_space<vmem>>
        %dma_wait3A_221 = tpu.memref_squeeze %dma_wait3A_220 : memref<1x128xi32, #tpu.memory_space<vmem>> -> memref<128xi32, #tpu.memory_space<vmem>>
        %dma_wait3A_222 = arith.constant 0 : i32
        %dma_wait3A_223 = arith.constant 0 : i32
        %dma_wait3A_224 = tpu.memref_slice %arg14[%dma_wait3A_222, %dma_wait3A_223] : memref<10112x64xf32, #tpu.memory_space<vmem_shared>> -> memref<10112x64xf32, #tpu.memory_space<vmem_shared>>
        tpu.wait_indirect_dma semaphore(%run_scoped3A_212 : memref<!tpu.dma_semaphore, #tpu.memory_space<semaphore_mem>>) src(%arg13 : memref<128x64xf32, #tpu.memory_space<vmem>>) dst(%dma_wait3A_224 : memref<10112x64xf32, #tpu.memory_space<vmem_shared>>)
        tpu.yield
      }) : () -> ()
      "tpu.region"() ({
        %run_scoped3A_212 = tpu.sem_alloc : memref<!tpu.dma_semaphore, #tpu.memory_space<semaphore_mem>>
        %dma_start3A_213 = arith.constant 0 : i32
        %dma_start3A_214 = tpu.memref_slice %arg11[%add3A_135, %dma_start3A_213] : memref<160x128xi32, #tpu.memory_space<vmem>> -> memref<1x128xi32, #tpu.memory_space<vmem>>
        %dma_start3A_215 = tpu.memref_squeeze %dma_start3A_214 : memref<1x128xi32, #tpu.memory_space<vmem>> -> memref<128xi32, #tpu.memory_space<vmem>>
        %dma_start3A_216 = arith.constant 0 : i32
        %dma_start3A_217 = arith.constant 0 : i32
        %dma_start3A_218 = tpu.memref_slice %arg18[%dma_start3A_216, %dma_start3A_217] : memref<10112x8xf32, #tpu.memory_space<vmem_shared>> -> memref<10112x8xf32, #tpu.memory_space<vmem_shared>>
        tpu.enqueue_indirect_dma source(%arg17 : memref<128x8xf32, #tpu.memory_space<vmem>>) target(%dma_start3A_218 : memref<10112x8xf32, #tpu.memory_space<vmem_shared>>) offsets(%dma_start3A_215 : memref<128xi32, #tpu.memory_space<vmem>>) semaphore(%run_scoped3A_212 : memref<!tpu.dma_semaphore, #tpu.memory_space<semaphore_mem>>) {add = true}
        %dma_wait3A_219 = arith.constant 0 : i32
        %dma_wait3A_220 = tpu.memref_slice %arg11[%add3A_135, %dma_wait3A_219] : memref<160x128xi32, #tpu.memory_space<vmem>> -> memref<1x128xi32, #tpu.memory_space<vmem>>
        %dma_wait3A_221 = tpu.memref_squeeze %dma_wait3A_220 : memref<1x128xi32, #tpu.memory_space<vmem>> -> memref<128xi32, #tpu.memory_space<vmem>>
        %dma_wait3A_222 = arith.constant 0 : i32
        %dma_wait3A_223 = arith.constant 0 : i32
        %dma_wait3A_224 = tpu.memref_slice %arg18[%dma_wait3A_222, %dma_wait3A_223] : memref<10112x8xf32, #tpu.memory_space<vmem_shared>> -> memref<10112x8xf32, #tpu.memory_space<vmem_shared>>
        tpu.wait_indirect_dma semaphore(%run_scoped3A_212 : memref<!tpu.dma_semaphore, #tpu.memory_space<semaphore_mem>>) src(%arg17 : memref<128x8xf32, #tpu.memory_space<vmem>>) dst(%dma_wait3A_224 : memref<10112x8xf32, #tpu.memory_space<vmem_shared>>)
        tpu.yield
      }) : () -> ()
      %scan3A_158 = arith.constant 1 : i32
      %scan3A_159 = arith.addi %scan3A_105, %scan3A_158 : i32
      %mul3A_160 = arith.constant 2 : i32
      %mul3A_161 = arith.muli %scan3A_159, %mul3A_160 : i32
      %add3A_162 = arith.constant 0 : i32
      %add3A_163 = arith.addi %mul3A_161, %add3A_162 : i32
      %dma_wait3A_164 = arith.constant 0 : i32
      %dma_wait3A_165 = tpu.memref_slice %arg10[%add3A_163, %dma_wait3A_164] : memref<160x128xi32, #tpu.memory_space<vmem>> -> memref<1x128xi32, #tpu.memory_space<vmem>>
      %dma_wait3A_166 = tpu.memref_squeeze %dma_wait3A_165 : memref<1x128xi32, #tpu.memory_space<vmem>> -> memref<128xi32, #tpu.memory_space<vmem>>
      %dma_wait3A_167 = arith.constant 0 : i32
      %dma_wait3A_168 = arith.constant 0 : i32
      %dma_wait3A_169 = tpu.memref_slice %arg2[%arg0, %dma_wait3A_167, %dma_wait3A_168] : memref<2x10000x64xf32, #tpu.memory_space<hbm>> -> memref<1x10000x64xf32, #tpu.memory_space<hbm>>
      %dma_wait3A_170 = tpu.memref_squeeze %dma_wait3A_169 : memref<1x10000x64xf32, #tpu.memory_space<hbm>> -> memref<10000x64xf32, #tpu.memory_space<hbm>>
      %dma_wait3A_171 = arith.constant 0 : i32
      %dma_wait3A_172 = arith.constant 0 : i32
      %dma_wait3A_173 = tpu.memref_slice %dma_wait3A_170[%dma_wait3A_171, %dma_wait3A_172] : memref<10000x64xf32, #tpu.memory_space<hbm>> -> memref<10000x64xf32, #tpu.memory_space<hbm>>
      tpu.wait_indirect_dma semaphore(%arg15 : memref<!tpu.dma_semaphore, #tpu.memory_space<semaphore_mem>>) src(%dma_wait3A_173 : memref<10000x64xf32, #tpu.memory_space<hbm>>) dst(%arg12 : memref<128x64xf32, #tpu.memory_space<vmem>>)
      %add3A_174 = arith.constant 2 : i32
      %add3A_175 = arith.addi %add3A_163, %add3A_174 : i32
      %dma_start3A_176 = arith.constant 0 : i32
      %dma_start3A_177 = tpu.memref_slice %arg10[%add3A_175, %dma_start3A_176] : memref<160x128xi32, #tpu.memory_space<vmem>> -> memref<1x128xi32, #tpu.memory_space<vmem>>
      %dma_start3A_178 = tpu.memref_squeeze %dma_start3A_177 : memref<1x128xi32, #tpu.memory_space<vmem>> -> memref<128xi32, #tpu.memory_space<vmem>>
      %dma_start3A_179 = arith.constant 0 : i32
      %dma_start3A_180 = arith.constant 0 : i32
      %dma_start3A_181 = tpu.memref_slice %arg2[%arg0, %dma_start3A_179, %dma_start3A_180] : memref<2x10000x64xf32, #tpu.memory_space<hbm>> -> memref<1x10000x64xf32, #tpu.memory_space<hbm>>
      %dma_start3A_182 = tpu.memref_squeeze %dma_start3A_181 : memref<1x10000x64xf32, #tpu.memory_space<hbm>> -> memref<10000x64xf32, #tpu.memory_space<hbm>>
      %dma_start3A_183 = arith.constant 0 : i32
      %dma_start3A_184 = arith.constant 0 : i32
      %dma_start3A_185 = tpu.memref_slice %dma_start3A_182[%dma_start3A_183, %dma_start3A_184] : memref<10000x64xf32, #tpu.memory_space<hbm>> -> memref<10000x64xf32, #tpu.memory_space<hbm>>
      tpu.enqueue_indirect_dma source(%dma_start3A_185 : memref<10000x64xf32, #tpu.memory_space<hbm>>) target(%arg12 : memref<128x64xf32, #tpu.memory_space<vmem>>) offsets(%dma_start3A_178 : memref<128xi32, #tpu.memory_space<vmem>>) semaphore(%arg15 : memref<!tpu.dma_semaphore, #tpu.memory_space<semaphore_mem>>)
      "tpu.region"() ({
        %run_scoped3A_212 = tpu.sem_alloc : memref<!tpu.dma_semaphore, #tpu.memory_space<semaphore_mem>>
        %dma_start3A_213 = arith.constant 0 : i32
        %dma_start3A_214 = tpu.memref_slice %arg11[%add3A_163, %dma_start3A_213] : memref<160x128xi32, #tpu.memory_space<vmem>> -> memref<1x128xi32, #tpu.memory_space<vmem>>
        %dma_start3A_215 = tpu.memref_squeeze %dma_start3A_214 : memref<1x128xi32, #tpu.memory_space<vmem>> -> memref<128xi32, #tpu.memory_space<vmem>>
        %dma_start3A_216 = arith.constant 0 : i32
        %dma_start3A_217 = arith.constant 0 : i32
        %dma_start3A_218 = tpu.memref_slice %arg14[%dma_start3A_216, %dma_start3A_217] : memref<10112x64xf32, #tpu.memory_space<vmem_shared>> -> memref<10112x64xf32, #tpu.memory_space<vmem_shared>>
        tpu.enqueue_indirect_dma source(%arg12 : memref<128x64xf32, #tpu.memory_space<vmem>>) target(%dma_start3A_218 : memref<10112x64xf32, #tpu.memory_space<vmem_shared>>) offsets(%dma_start3A_215 : memref<128xi32, #tpu.memory_space<vmem>>) semaphore(%run_scoped3A_212 : memref<!tpu.dma_semaphore, #tpu.memory_space<semaphore_mem>>) {add = true}
        %dma_wait3A_219 = arith.constant 0 : i32
        %dma_wait3A_220 = tpu.memref_slice %arg11[%add3A_163, %dma_wait3A_219] : memref<160x128xi32, #tpu.memory_space<vmem>> -> memref<1x128xi32, #tpu.memory_space<vmem>>
        %dma_wait3A_221 = tpu.memref_squeeze %dma_wait3A_220 : memref<1x128xi32, #tpu.memory_space<vmem>> -> memref<128xi32, #tpu.memory_space<vmem>>
        %dma_wait3A_222 = arith.constant 0 : i32
        %dma_wait3A_223 = arith.constant 0 : i32
        %dma_wait3A_224 = tpu.memref_slice %arg14[%dma_wait3A_222, %dma_wait3A_223] : memref<10112x64xf32, #tpu.memory_space<vmem_shared>> -> memref<10112x64xf32, #tpu.memory_space<vmem_shared>>
        tpu.wait_indirect_dma semaphore(%run_scoped3A_212 : memref<!tpu.dma_semaphore, #tpu.memory_space<semaphore_mem>>) src(%arg12 : memref<128x64xf32, #tpu.memory_space<vmem>>) dst(%dma_wait3A_224 : memref<10112x64xf32, #tpu.memory_space<vmem_shared>>)
        tpu.yield
      }) : () -> ()
      "tpu.region"() ({
        %run_scoped3A_212 = tpu.sem_alloc : memref<!tpu.dma_semaphore, #tpu.memory_space<semaphore_mem>>
        %dma_start3A_213 = arith.constant 0 : i32
        %dma_start3A_214 = tpu.memref_slice %arg11[%add3A_163, %dma_start3A_213] : memref<160x128xi32, #tpu.memory_space<vmem>> -> memref<1x128xi32, #tpu.memory_space<vmem>>
        %dma_start3A_215 = tpu.memref_squeeze %dma_start3A_214 : memref<1x128xi32, #tpu.memory_space<vmem>> -> memref<128xi32, #tpu.memory_space<vmem>>
        %dma_start3A_216 = arith.constant 0 : i32
        %dma_start3A_217 = arith.constant 0 : i32
        %dma_start3A_218 = tpu.memref_slice %arg18[%dma_start3A_216, %dma_start3A_217] : memref<10112x8xf32, #tpu.memory_space<vmem_shared>> -> memref<10112x8xf32, #tpu.memory_space<vmem_shared>>
        tpu.enqueue_indirect_dma source(%arg17 : memref<128x8xf32, #tpu.memory_space<vmem>>) target(%dma_start3A_218 : memref<10112x8xf32, #tpu.memory_space<vmem_shared>>) offsets(%dma_start3A_215 : memref<128xi32, #tpu.memory_space<vmem>>) semaphore(%run_scoped3A_212 : memref<!tpu.dma_semaphore, #tpu.memory_space<semaphore_mem>>) {add = true}
        %dma_wait3A_219 = arith.constant 0 : i32
        %dma_wait3A_220 = tpu.memref_slice %arg11[%add3A_163, %dma_wait3A_219] : memref<160x128xi32, #tpu.memory_space<vmem>> -> memref<1x128xi32, #tpu.memory_space<vmem>>
        %dma_wait3A_221 = tpu.memref_squeeze %dma_wait3A_220 : memref<1x128xi32, #tpu.memory_space<vmem>> -> memref<128xi32, #tpu.memory_space<vmem>>
        %dma_wait3A_222 = arith.constant 0 : i32
        %dma_wait3A_223 = arith.constant 0 : i32
        %dma_wait3A_224 = tpu.memref_slice %arg18[%dma_wait3A_222, %dma_wait3A_223] : memref<10112x8xf32, #tpu.memory_space<vmem_shared>> -> memref<10112x8xf32, #tpu.memory_space<vmem_shared>>
        tpu.wait_indirect_dma semaphore(%run_scoped3A_212 : memref<!tpu.dma_semaphore, #tpu.memory_space<semaphore_mem>>) src(%arg17 : memref<128x8xf32, #tpu.memory_space<vmem>>) dst(%dma_wait3A_224 : memref<10112x8xf32, #tpu.memory_space<vmem_shared>>)
        tpu.yield
      }) : () -> ()
      %mul3A_186 = arith.constant 2 : i32
      %mul3A_187 = arith.muli %scan3A_159, %mul3A_186 : i32
      %add3A_188 = arith.constant 1 : i32
      %add3A_189 = arith.addi %mul3A_187, %add3A_188 : i32
      %dma_wait3A_190 = arith.constant 0 : i32
      %dma_wait3A_191 = tpu.memref_slice %arg10[%add3A_189, %dma_wait3A_190] : memref<160x128xi32, #tpu.memory_space<vmem>> -> memref<1x128xi32, #tpu.memory_space<vmem>>
      %dma_wait3A_192 = tpu.memref_squeeze %dma_wait3A_191 : memref<1x128xi32, #tpu.memory_space<vmem>> -> memref<128xi32, #tpu.memory_space<vmem>>
      %dma_wait3A_193 = arith.constant 0 : i32
      %dma_wait3A_194 = arith.constant 0 : i32
      %dma_wait3A_195 = tpu.memref_slice %arg2[%arg0, %dma_wait3A_193, %dma_wait3A_194] : memref<2x10000x64xf32, #tpu.memory_space<hbm>> -> memref<1x10000x64xf32, #tpu.memory_space<hbm>>
      %dma_wait3A_196 = tpu.memref_squeeze %dma_wait3A_195 : memref<1x10000x64xf32, #tpu.memory_space<hbm>> -> memref<10000x64xf32, #tpu.memory_space<hbm>>
      %dma_wait3A_197 = arith.constant 0 : i32
      %dma_wait3A_198 = arith.constant 0 : i32
      %dma_wait3A_199 = tpu.memref_slice %dma_wait3A_196[%dma_wait3A_197, %dma_wait3A_198] : memref<10000x64xf32, #tpu.memory_space<hbm>> -> memref<10000x64xf32, #tpu.memory_space<hbm>>
      tpu.wait_indirect_dma semaphore(%arg16 : memref<!tpu.dma_semaphore, #tpu.memory_space<semaphore_mem>>) src(%dma_wait3A_199 : memref<10000x64xf32, #tpu.memory_space<hbm>>) dst(%arg13 : memref<128x64xf32, #tpu.memory_space<vmem>>)
      %add3A_200 = arith.constant 2 : i32
      %add3A_201 = arith.addi %add3A_189, %add3A_200 : i32
      %dma_start3A_202 = arith.constant 0 : i32
      %dma_start3A_203 = tpu.memref_slice %arg10[%add3A_201, %dma_start3A_202] : memref<160x128xi32, #tpu.memory_space<vmem>> -> memref<1x128xi32, #tpu.memory_space<vmem>>
      %dma_start3A_204 = tpu.memref_squeeze %dma_start3A_203 : memref<1x128xi32, #tpu.memory_space<vmem>> -> memref<128xi32, #tpu.memory_space<vmem>>
      %dma_start3A_205 = arith.constant 0 : i32
      %dma_start3A_206 = arith.constant 0 : i32
      %dma_start3A_207 = tpu.memref_slice %arg2[%arg0, %dma_start3A_205, %dma_start3A_206] : memref<2x10000x64xf32, #tpu.memory_space<hbm>> -> memref<1x10000x64xf32, #tpu.memory_space<hbm>>
      %dma_start3A_208 = tpu.memref_squeeze %dma_start3A_207 : memref<1x10000x64xf32, #tpu.memory_space<hbm>> -> memref<10000x64xf32, #tpu.memory_space<hbm>>
      %dma_start3A_209 = arith.constant 0 : i32
      %dma_start3A_210 = arith.constant 0 : i32
      %dma_start3A_211 = tpu.memref_slice %dma_start3A_208[%dma_start3A_209, %dma_start3A_210] : memref<10000x64xf32, #tpu.memory_space<hbm>> -> memref<10000x64xf32, #tpu.memory_space<hbm>>
      tpu.enqueue_indirect_dma source(%dma_start3A_211 : memref<10000x64xf32, #tpu.memory_space<hbm>>) target(%arg13 : memref<128x64xf32, #tpu.memory_space<vmem>>) offsets(%dma_start3A_204 : memref<128xi32, #tpu.memory_space<vmem>>) semaphore(%arg16 : memref<!tpu.dma_semaphore, #tpu.memory_space<semaphore_mem>>)
      "tpu.region"() ({
        %run_scoped3A_212 = tpu.sem_alloc : memref<!tpu.dma_semaphore, #tpu.memory_space<semaphore_mem>>
        %dma_start3A_213 = arith.constant 0 : i32
        %dma_start3A_214 = tpu.memref_slice %arg11[%add3A_189, %dma_start3A_213] : memref<160x128xi32, #tpu.memory_space<vmem>> -> memref<1x128xi32, #tpu.memory_space<vmem>>
        %dma_start3A_215 = tpu.memref_squeeze %dma_start3A_214 : memref<1x128xi32, #tpu.memory_space<vmem>> -> memref<128xi32, #tpu.memory_space<vmem>>
        %dma_start3A_216 = arith.constant 0 : i32
        %dma_start3A_217 = arith.constant 0 : i32
        %dma_start3A_218 = tpu.memref_slice %arg14[%dma_start3A_216, %dma_start3A_217] : memref<10112x64xf32, #tpu.memory_space<vmem_shared>> -> memref<10112x64xf32, #tpu.memory_space<vmem_shared>>
        tpu.enqueue_indirect_dma source(%arg13 : memref<128x64xf32, #tpu.memory_space<vmem>>) target(%dma_start3A_218 : memref<10112x64xf32, #tpu.memory_space<vmem_shared>>) offsets(%dma_start3A_215 : memref<128xi32, #tpu.memory_space<vmem>>) semaphore(%run_scoped3A_212 : memref<!tpu.dma_semaphore, #tpu.memory_space<semaphore_mem>>) {add = true}
        %dma_wait3A_219 = arith.constant 0 : i32
        %dma_wait3A_220 = tpu.memref_slice %arg11[%add3A_189, %dma_wait3A_219] : memref<160x128xi32, #tpu.memory_space<vmem>> -> memref<1x128xi32, #tpu.memory_space<vmem>>
        %dma_wait3A_221 = tpu.memref_squeeze %dma_wait3A_220 : memref<1x128xi32, #tpu.memory_space<vmem>> -> memref<128xi32, #tpu.memory_space<vmem>>
        %dma_wait3A_222 = arith.constant 0 : i32
        %dma_wait3A_223 = arith.constant 0 : i32
        %dma_wait3A_224 = tpu.memref_slice %arg14[%dma_wait3A_222, %dma_wait3A_223] : memref<10112x64xf32, #tpu.memory_space<vmem_shared>> -> memref<10112x64xf32, #tpu.memory_space<vmem_shared>>
        tpu.wait_indirect_dma semaphore(%run_scoped3A_212 : memref<!tpu.dma_semaphore, #tpu.memory_space<semaphore_mem>>) src(%arg13 : memref<128x64xf32, #tpu.memory_space<vmem>>) dst(%dma_wait3A_224 : memref<10112x64xf32, #tpu.memory_space<vmem_shared>>)
        tpu.yield
      }) : () -> ()
      "tpu.region"() ({
        %run_scoped3A_212 = tpu.sem_alloc : memref<!tpu.dma_semaphore, #tpu.memory_space<semaphore_mem>>
        %dma_start3A_213 = arith.constant 0 : i32
        %dma_start3A_214 = tpu.memref_slice %arg11[%add3A_189, %dma_start3A_213] : memref<160x128xi32, #tpu.memory_space<vmem>> -> memref<1x128xi32, #tpu.memory_space<vmem>>
        %dma_start3A_215 = tpu.memref_squeeze %dma_start3A_214 : memref<1x128xi32, #tpu.memory_space<vmem>> -> memref<128xi32, #tpu.memory_space<vmem>>
        %dma_start3A_216 = arith.constant 0 : i32
        %dma_start3A_217 = arith.constant 0 : i32
        %dma_start3A_218 = tpu.memref_slice %arg18[%dma_start3A_216, %dma_start3A_217] : memref<10112x8xf32, #tpu.memory_space<vmem_shared>> -> memref<10112x8xf32, #tpu.memory_space<vmem_shared>>
        tpu.enqueue_indirect_dma source(%arg17 : memref<128x8xf32, #tpu.memory_space<vmem>>) target(%dma_start3A_218 : memref<10112x8xf32, #tpu.memory_space<vmem_shared>>) offsets(%dma_start3A_215 : memref<128xi32, #tpu.memory_space<vmem>>) semaphore(%run_scoped3A_212 : memref<!tpu.dma_semaphore, #tpu.memory_space<semaphore_mem>>) {add = true}
        %dma_wait3A_219 = arith.constant 0 : i32
        %dma_wait3A_220 = tpu.memref_slice %arg11[%add3A_189, %dma_wait3A_219] : memref<160x128xi32, #tpu.memory_space<vmem>> -> memref<1x128xi32, #tpu.memory_space<vmem>>
        %dma_wait3A_221 = tpu.memref_squeeze %dma_wait3A_220 : memref<1x128xi32, #tpu.memory_space<vmem>> -> memref<128xi32, #tpu.memory_space<vmem>>
        %dma_wait3A_222 = arith.constant 0 : i32
        %dma_wait3A_223 = arith.constant 0 : i32
        %dma_wait3A_224 = tpu.memref_slice %arg18[%dma_wait3A_222, %dma_wait3A_223] : memref<10112x8xf32, #tpu.memory_space<vmem_shared>> -> memref<10112x8xf32, #tpu.memory_space<vmem_shared>>
        tpu.wait_indirect_dma semaphore(%run_scoped3A_212 : memref<!tpu.dma_semaphore, #tpu.memory_space<semaphore_mem>>) src(%arg17 : memref<128x8xf32, #tpu.memory_space<vmem>>) dst(%dma_wait3A_224 : memref<10112x8xf32, #tpu.memory_space<vmem_shared>>)
        tpu.yield
      }) : () -> ()
    }
    %scan3A_26 = arith.constant 78 : i32
    %scan3A_27 = arith.addi %scan3A_22, %scan3A_26 : i32
    %mul3A_28 = arith.constant 2 : i32
    %mul3A_29 = arith.muli %scan3A_27, %mul3A_28 : i32
    %add3A = arith.constant 0 : i32
    %add3A_30 = arith.addi %mul3A_29, %add3A : i32
    %dma_wait3A = arith.constant 0 : i32
    %dma_wait3A_31 = tpu.memref_slice %arg10[%add3A_30, %dma_wait3A] : memref<160x128xi32, #tpu.memory_space<vmem>> -> memref<1x128xi32, #tpu.memory_space<vmem>>
    %dma_wait3A_32 = tpu.memref_squeeze %dma_wait3A_31 : memref<1x128xi32, #tpu.memory_space<vmem>> -> memref<128xi32, #tpu.memory_space<vmem>>
    %dma_wait3A_33 = arith.constant 0 : i32
    %dma_wait3A_34 = arith.constant 0 : i32
    %dma_wait3A_35 = tpu.memref_slice %arg2[%arg0, %dma_wait3A_33, %dma_wait3A_34] : memref<2x10000x64xf32, #tpu.memory_space<hbm>> -> memref<1x10000x64xf32, #tpu.memory_space<hbm>>
    %dma_wait3A_36 = tpu.memref_squeeze %dma_wait3A_35 : memref<1x10000x64xf32, #tpu.memory_space<hbm>> -> memref<10000x64xf32, #tpu.memory_space<hbm>>
    %dma_wait3A_37 = arith.constant 0 : i32
    %dma_wait3A_38 = arith.constant 0 : i32
    %dma_wait3A_39 = tpu.memref_slice %dma_wait3A_36[%dma_wait3A_37, %dma_wait3A_38] : memref<10000x64xf32, #tpu.memory_space<hbm>> -> memref<10000x64xf32, #tpu.memory_space<hbm>>
    tpu.wait_indirect_dma semaphore(%arg15 : memref<!tpu.dma_semaphore, #tpu.memory_space<semaphore_mem>>) src(%dma_wait3A_39 : memref<10000x64xf32, #tpu.memory_space<hbm>>) dst(%arg12 : memref<128x64xf32, #tpu.memory_space<vmem>>)
    %add3A_40 = arith.constant 2 : i32
    %add3A_41 = arith.addi %add3A_30, %add3A_40 : i32
    %dma_start3A_42 = arith.constant 0 : i32
    %dma_start3A_43 = tpu.memref_slice %arg10[%add3A_41, %dma_start3A_42] : memref<160x128xi32, #tpu.memory_space<vmem>> -> memref<1x128xi32, #tpu.memory_space<vmem>>
    %dma_start3A_44 = tpu.memref_squeeze %dma_start3A_43 : memref<1x128xi32, #tpu.memory_space<vmem>> -> memref<128xi32, #tpu.memory_space<vmem>>
    %dma_start3A_45 = arith.constant 0 : i32
    %dma_start3A_46 = arith.constant 0 : i32
    %dma_start3A_47 = tpu.memref_slice %arg2[%arg0, %dma_start3A_45, %dma_start3A_46] : memref<2x10000x64xf32, #tpu.memory_space<hbm>> -> memref<1x10000x64xf32, #tpu.memory_space<hbm>>
    %dma_start3A_48 = tpu.memref_squeeze %dma_start3A_47 : memref<1x10000x64xf32, #tpu.memory_space<hbm>> -> memref<10000x64xf32, #tpu.memory_space<hbm>>
    %dma_start3A_49 = arith.constant 0 : i32
    %dma_start3A_50 = arith.constant 0 : i32
    %dma_start3A_51 = tpu.memref_slice %dma_start3A_48[%dma_start3A_49, %dma_start3A_50] : memref<10000x64xf32, #tpu.memory_space<hbm>> -> memref<10000x64xf32, #tpu.memory_space<hbm>>
    tpu.enqueue_indirect_dma source(%dma_start3A_51 : memref<10000x64xf32, #tpu.memory_space<hbm>>) target(%arg12 : memref<128x64xf32, #tpu.memory_space<vmem>>) offsets(%dma_start3A_44 : memref<128xi32, #tpu.memory_space<vmem>>) semaphore(%arg15 : memref<!tpu.dma_semaphore, #tpu.memory_space<semaphore_mem>>)
    "tpu.region"() ({
      %run_scoped3A_105 = tpu.sem_alloc : memref<!tpu.dma_semaphore, #tpu.memory_space<semaphore_mem>>
      %dma_start3A_106 = arith.constant 0 : i32
      %dma_start3A_107 = tpu.memref_slice %arg11[%add3A_30, %dma_start3A_106] : memref<160x128xi32, #tpu.memory_space<vmem>> -> memref<1x128xi32, #tpu.memory_space<vmem>>
      %dma_start3A_108 = tpu.memref_squeeze %dma_start3A_107 : memref<1x128xi32, #tpu.memory_space<vmem>> -> memref<128xi32, #tpu.memory_space<vmem>>
      %dma_start3A_109 = arith.constant 0 : i32
      %dma_start3A_110 = arith.constant 0 : i32
      %dma_start3A_111 = tpu.memref_slice %arg14[%dma_start3A_109, %dma_start3A_110] : memref<10112x64xf32, #tpu.memory_space<vmem_shared>> -> memref<10112x64xf32, #tpu.memory_space<vmem_shared>>
      tpu.enqueue_indirect_dma source(%arg12 : memref<128x64xf32, #tpu.memory_space<vmem>>) target(%dma_start3A_111 : memref<10112x64xf32, #tpu.memory_space<vmem_shared>>) offsets(%dma_start3A_108 : memref<128xi32, #tpu.memory_space<vmem>>) semaphore(%run_scoped3A_105 : memref<!tpu.dma_semaphore, #tpu.memory_space<semaphore_mem>>) {add = true}
      %dma_wait3A_112 = arith.constant 0 : i32
      %dma_wait3A_113 = tpu.memref_slice %arg11[%add3A_30, %dma_wait3A_112] : memref<160x128xi32, #tpu.memory_space<vmem>> -> memref<1x128xi32, #tpu.memory_space<vmem>>
      %dma_wait3A_114 = tpu.memref_squeeze %dma_wait3A_113 : memref<1x128xi32, #tpu.memory_space<vmem>> -> memref<128xi32, #tpu.memory_space<vmem>>
      %dma_wait3A_115 = arith.constant 0 : i32
      %dma_wait3A_116 = arith.constant 0 : i32
      %dma_wait3A_117 = tpu.memref_slice %arg14[%dma_wait3A_115, %dma_wait3A_116] : memref<10112x64xf32, #tpu.memory_space<vmem_shared>> -> memref<10112x64xf32, #tpu.memory_space<vmem_shared>>
      tpu.wait_indirect_dma semaphore(%run_scoped3A_105 : memref<!tpu.dma_semaphore, #tpu.memory_space<semaphore_mem>>) src(%arg12 : memref<128x64xf32, #tpu.memory_space<vmem>>) dst(%dma_wait3A_117 : memref<10112x64xf32, #tpu.memory_space<vmem_shared>>)
      tpu.yield
    }) : () -> ()
    "tpu.region"() ({
      %run_scoped3A_105 = tpu.sem_alloc : memref<!tpu.dma_semaphore, #tpu.memory_space<semaphore_mem>>
      %dma_start3A_106 = arith.constant 0 : i32
      %dma_start3A_107 = tpu.memref_slice %arg11[%add3A_30, %dma_start3A_106] : memref<160x128xi32, #tpu.memory_space<vmem>> -> memref<1x128xi32, #tpu.memory_space<vmem>>
      %dma_start3A_108 = tpu.memref_squeeze %dma_start3A_107 : memref<1x128xi32, #tpu.memory_space<vmem>> -> memref<128xi32, #tpu.memory_space<vmem>>
      %dma_start3A_109 = arith.constant 0 : i32
      %dma_start3A_110 = arith.constant 0 : i32
      %dma_start3A_111 = tpu.memref_slice %arg18[%dma_start3A_109, %dma_start3A_110] : memref<10112x8xf32, #tpu.memory_space<vmem_shared>> -> memref<10112x8xf32, #tpu.memory_space<vmem_shared>>
      tpu.enqueue_indirect_dma source(%arg17 : memref<128x8xf32, #tpu.memory_space<vmem>>) target(%dma_start3A_111 : memref<10112x8xf32, #tpu.memory_space<vmem_shared>>) offsets(%dma_start3A_108 : memref<128xi32, #tpu.memory_space<vmem>>) semaphore(%run_scoped3A_105 : memref<!tpu.dma_semaphore, #tpu.memory_space<semaphore_mem>>) {add = true}
      %dma_wait3A_112 = arith.constant 0 : i32
      %dma_wait3A_113 = tpu.memref_slice %arg11[%add3A_30, %dma_wait3A_112] : memref<160x128xi32, #tpu.memory_space<vmem>> -> memref<1x128xi32, #tpu.memory_space<vmem>>
      %dma_wait3A_114 = tpu.memref_squeeze %dma_wait3A_113 : memref<1x128xi32, #tpu.memory_space<vmem>> -> memref<128xi32, #tpu.memory_space<vmem>>
      %dma_wait3A_115 = arith.constant 0 : i32
      %dma_wait3A_116 = arith.constant 0 : i32
      %dma_wait3A_117 = tpu.memref_slice %arg18[%dma_wait3A_115, %dma_wait3A_116] : memref<10112x8xf32, #tpu.memory_space<vmem_shared>> -> memref<10112x8xf32, #tpu.memory_space<vmem_shared>>
      tpu.wait_indirect_dma semaphore(%run_scoped3A_105 : memref<!tpu.dma_semaphore, #tpu.memory_space<semaphore_mem>>) src(%arg17 : memref<128x8xf32, #tpu.memory_space<vmem>>) dst(%dma_wait3A_117 : memref<10112x8xf32, #tpu.memory_space<vmem_shared>>)
      tpu.yield
    }) : () -> ()
    %mul3A_52 = arith.constant 2 : i32
    %mul3A_53 = arith.muli %scan3A_27, %mul3A_52 : i32
    %add3A_54 = arith.constant 1 : i32
    %add3A_55 = arith.addi %mul3A_53, %add3A_54 : i32
    %dma_wait3A_56 = arith.constant 0 : i32
    %dma_wait3A_57 = tpu.memref_slice %arg10[%add3A_55, %dma_wait3A_56] : memref<160x128xi32, #tpu.memory_space<vmem>> -> memref<1x128xi32, #tpu.memory_space<vmem>>
    %dma_wait3A_58 = tpu.memref_squeeze %dma_wait3A_57 : memref<1x128xi32, #tpu.memory_space<vmem>> -> memref<128xi32, #tpu.memory_space<vmem>>
    %dma_wait3A_59 = arith.constant 0 : i32
    %dma_wait3A_60 = arith.constant 0 : i32
    %dma_wait3A_61 = tpu.memref_slice %arg2[%arg0, %dma_wait3A_59, %dma_wait3A_60] : memref<2x10000x64xf32, #tpu.memory_space<hbm>> -> memref<1x10000x64xf32, #tpu.memory_space<hbm>>
    %dma_wait3A_62 = tpu.memref_squeeze %dma_wait3A_61 : memref<1x10000x64xf32, #tpu.memory_space<hbm>> -> memref<10000x64xf32, #tpu.memory_space<hbm>>
    %dma_wait3A_63 = arith.constant 0 : i32
    %dma_wait3A_64 = arith.constant 0 : i32
    %dma_wait3A_65 = tpu.memref_slice %dma_wait3A_62[%dma_wait3A_63, %dma_wait3A_64] : memref<10000x64xf32, #tpu.memory_space<hbm>> -> memref<10000x64xf32, #tpu.memory_space<hbm>>
    tpu.wait_indirect_dma semaphore(%arg16 : memref<!tpu.dma_semaphore, #tpu.memory_space<semaphore_mem>>) src(%dma_wait3A_65 : memref<10000x64xf32, #tpu.memory_space<hbm>>) dst(%arg13 : memref<128x64xf32, #tpu.memory_space<vmem>>)
    %add3A_66 = arith.constant 2 : i32
    %add3A_67 = arith.addi %add3A_55, %add3A_66 : i32
    %dma_start3A_68 = arith.constant 0 : i32
    %dma_start3A_69 = tpu.memref_slice %arg10[%add3A_67, %dma_start3A_68] : memref<160x128xi32, #tpu.memory_space<vmem>> -> memref<1x128xi32, #tpu.memory_space<vmem>>
    %dma_start3A_70 = tpu.memref_squeeze %dma_start3A_69 : memref<1x128xi32, #tpu.memory_space<vmem>> -> memref<128xi32, #tpu.memory_space<vmem>>
    %dma_start3A_71 = arith.constant 0 : i32
    %dma_start3A_72 = arith.constant 0 : i32
    %dma_start3A_73 = tpu.memref_slice %arg2[%arg0, %dma_start3A_71, %dma_start3A_72] : memref<2x10000x64xf32, #tpu.memory_space<hbm>> -> memref<1x10000x64xf32, #tpu.memory_space<hbm>>
    %dma_start3A_74 = tpu.memref_squeeze %dma_start3A_73 : memref<1x10000x64xf32, #tpu.memory_space<hbm>> -> memref<10000x64xf32, #tpu.memory_space<hbm>>
    %dma_start3A_75 = arith.constant 0 : i32
    %dma_start3A_76 = arith.constant 0 : i32
    %dma_start3A_77 = tpu.memref_slice %dma_start3A_74[%dma_start3A_75, %dma_start3A_76] : memref<10000x64xf32, #tpu.memory_space<hbm>> -> memref<10000x64xf32, #tpu.memory_space<hbm>>
    tpu.enqueue_indirect_dma source(%dma_start3A_77 : memref<10000x64xf32, #tpu.memory_space<hbm>>) target(%arg13 : memref<128x64xf32, #tpu.memory_space<vmem>>) offsets(%dma_start3A_70 : memref<128xi32, #tpu.memory_space<vmem>>) semaphore(%arg16 : memref<!tpu.dma_semaphore, #tpu.memory_space<semaphore_mem>>)
    "tpu.region"() ({
      %run_scoped3A_105 = tpu.sem_alloc : memref<!tpu.dma_semaphore, #tpu.memory_space<semaphore_mem>>
      %dma_start3A_106 = arith.constant 0 : i32
      %dma_start3A_107 = tpu.memref_slice %arg11[%add3A_55, %dma_start3A_106] : memref<160x128xi32, #tpu.memory_space<vmem>> -> memref<1x128xi32, #tpu.memory_space<vmem>>
      %dma_start3A_108 = tpu.memref_squeeze %dma_start3A_107 : memref<1x128xi32, #tpu.memory_space<vmem>> -> memref<128xi32, #tpu.memory_space<vmem>>
      %dma_start3A_109 = arith.constant 0 : i32
      %dma_start3A_110 = arith.constant 0 : i32
      %dma_start3A_111 = tpu.memref_slice %arg14[%dma_start3A_109, %dma_start3A_110] : memref<10112x64xf32, #tpu.memory_space<vmem_shared>> -> memref<10112x64xf32, #tpu.memory_space<vmem_shared>>
      tpu.enqueue_indirect_dma source(%arg13 : memref<128x64xf32, #tpu.memory_space<vmem>>) target(%dma_start3A_111 : memref<10112x64xf32, #tpu.memory_space<vmem_shared>>) offsets(%dma_start3A_108 : memref<128xi32, #tpu.memory_space<vmem>>) semaphore(%run_scoped3A_105 : memref<!tpu.dma_semaphore, #tpu.memory_space<semaphore_mem>>) {add = true}
      %dma_wait3A_112 = arith.constant 0 : i32
      %dma_wait3A_113 = tpu.memref_slice %arg11[%add3A_55, %dma_wait3A_112] : memref<160x128xi32, #tpu.memory_space<vmem>> -> memref<1x128xi32, #tpu.memory_space<vmem>>
      %dma_wait3A_114 = tpu.memref_squeeze %dma_wait3A_113 : memref<1x128xi32, #tpu.memory_space<vmem>> -> memref<128xi32, #tpu.memory_space<vmem>>
      %dma_wait3A_115 = arith.constant 0 : i32
      %dma_wait3A_116 = arith.constant 0 : i32
      %dma_wait3A_117 = tpu.memref_slice %arg14[%dma_wait3A_115, %dma_wait3A_116] : memref<10112x64xf32, #tpu.memory_space<vmem_shared>> -> memref<10112x64xf32, #tpu.memory_space<vmem_shared>>
      tpu.wait_indirect_dma semaphore(%run_scoped3A_105 : memref<!tpu.dma_semaphore, #tpu.memory_space<semaphore_mem>>) src(%arg13 : memref<128x64xf32, #tpu.memory_space<vmem>>) dst(%dma_wait3A_117 : memref<10112x64xf32, #tpu.memory_space<vmem_shared>>)
      tpu.yield
    }) : () -> ()
    "tpu.region"() ({
      %run_scoped3A_105 = tpu.sem_alloc : memref<!tpu.dma_semaphore, #tpu.memory_space<semaphore_mem>>
      %dma_start3A_106 = arith.constant 0 : i32
      %dma_start3A_107 = tpu.memref_slice %arg11[%add3A_55, %dma_start3A_106] : memref<160x128xi32, #tpu.memory_space<vmem>> -> memref<1x128xi32, #tpu.memory_space<vmem>>
      %dma_start3A_108 = tpu.memref_squeeze %dma_start3A_107 : memref<1x128xi32, #tpu.memory_space<vmem>> -> memref<128xi32, #tpu.memory_space<vmem>>
      %dma_start3A_109 = arith.constant 0 : i32
      %dma_start3A_110 = arith.constant 0 : i32
      %dma_start3A_111 = tpu.memref_slice %arg18[%dma_start3A_109, %dma_start3A_110] : memref<10112x8xf32, #tpu.memory_space<vmem_shared>> -> memref<10112x8xf32, #tpu.memory_space<vmem_shared>>
      tpu.enqueue_indirect_dma source(%arg17 : memref<128x8xf32, #tpu.memory_space<vmem>>) target(%dma_start3A_111 : memref<10112x8xf32, #tpu.memory_space<vmem_shared>>) offsets(%dma_start3A_108 : memref<128xi32, #tpu.memory_space<vmem>>) semaphore(%run_scoped3A_105 : memref<!tpu.dma_semaphore, #tpu.memory_space<semaphore_mem>>) {add = true}
      %dma_wait3A_112 = arith.constant 0 : i32
      %dma_wait3A_113 = tpu.memref_slice %arg11[%add3A_55, %dma_wait3A_112] : memref<160x128xi32, #tpu.memory_space<vmem>> -> memref<1x128xi32, #tpu.memory_space<vmem>>
      %dma_wait3A_114 = tpu.memref_squeeze %dma_wait3A_113 : memref<1x128xi32, #tpu.memory_space<vmem>> -> memref<128xi32, #tpu.memory_space<vmem>>
      %dma_wait3A_115 = arith.constant 0 : i32
      %dma_wait3A_116 = arith.constant 0 : i32
      %dma_wait3A_117 = tpu.memref_slice %arg18[%dma_wait3A_115, %dma_wait3A_116] : memref<10112x8xf32, #tpu.memory_space<vmem_shared>> -> memref<10112x8xf32, #tpu.memory_space<vmem_shared>>
      tpu.wait_indirect_dma semaphore(%run_scoped3A_105 : memref<!tpu.dma_semaphore, #tpu.memory_space<semaphore_mem>>) src(%arg17 : memref<128x8xf32, #tpu.memory_space<vmem>>) dst(%dma_wait3A_117 : memref<10112x8xf32, #tpu.memory_space<vmem_shared>>)
      tpu.yield
    }) : () -> ()
    %scan3A_78 = arith.constant 79 : i32
    %dma_wait3A_79 = arith.constant 158 : i32
    %dma_wait3A_80 = arith.constant 0 : i32
    %dma_wait3A_81 = tpu.memref_slice %arg10[%dma_wait3A_79, %dma_wait3A_80] : memref<160x128xi32, #tpu.memory_space<vmem>> -> memref<1x128xi32, #tpu.memory_space<vmem>>
    %dma_wait3A_82 = tpu.memref_squeeze %dma_wait3A_81 : memref<1x128xi32, #tpu.memory_space<vmem>> -> memref<128xi32, #tpu.memory_space<vmem>>
    %dma_wait3A_83 = arith.constant 0 : i32
    %dma_wait3A_84 = arith.constant 0 : i32
    %dma_wait3A_85 = tpu.memref_slice %arg2[%arg0, %dma_wait3A_83, %dma_wait3A_84] : memref<2x10000x64xf32, #tpu.memory_space<hbm>> -> memref<1x10000x64xf32, #tpu.memory_space<hbm>>
    %dma_wait3A_86 = tpu.memref_squeeze %dma_wait3A_85 : memref<1x10000x64xf32, #tpu.memory_space<hbm>> -> memref<10000x64xf32, #tpu.memory_space<hbm>>
    %dma_wait3A_87 = arith.constant 0 : i32
    %dma_wait3A_88 = arith.constant 0 : i32
    %dma_wait3A_89 = tpu.memref_slice %dma_wait3A_86[%dma_wait3A_87, %dma_wait3A_88] : memref<10000x64xf32, #tpu.memory_space<hbm>> -> memref<10000x64xf32, #tpu.memory_space<hbm>>
    tpu.wait_indirect_dma semaphore(%arg15 : memref<!tpu.dma_semaphore, #tpu.memory_space<semaphore_mem>>) src(%dma_wait3A_89 : memref<10000x64xf32, #tpu.memory_space<hbm>>) dst(%arg12 : memref<128x64xf32, #tpu.memory_space<vmem>>)
    %run_scoped3A = arith.constant 158 : i32
    "tpu.region"() ({
      %run_scoped3A_105 = tpu.sem_alloc : memref<!tpu.dma_semaphore, #tpu.memory_space<semaphore_mem>>
      %dma_start3A_106 = arith.constant 0 : i32
      %dma_start3A_107 = tpu.memref_slice %arg11[%run_scoped3A, %dma_start3A_106] : memref<160x128xi32, #tpu.memory_space<vmem>> -> memref<1x128xi32, #tpu.memory_space<vmem>>
      %dma_start3A_108 = tpu.memref_squeeze %dma_start3A_107 : memref<1x128xi32, #tpu.memory_space<vmem>> -> memref<128xi32, #tpu.memory_space<vmem>>
      %dma_start3A_109 = arith.constant 0 : i32
      %dma_start3A_110 = arith.constant 0 : i32
      %dma_start3A_111 = tpu.memref_slice %arg14[%dma_start3A_109, %dma_start3A_110] : memref<10112x64xf32, #tpu.memory_space<vmem_shared>> -> memref<10112x64xf32, #tpu.memory_space<vmem_shared>>
      tpu.enqueue_indirect_dma source(%arg12 : memref<128x64xf32, #tpu.memory_space<vmem>>) target(%dma_start3A_111 : memref<10112x64xf32, #tpu.memory_space<vmem_shared>>) offsets(%dma_start3A_108 : memref<128xi32, #tpu.memory_space<vmem>>) semaphore(%run_scoped3A_105 : memref<!tpu.dma_semaphore, #tpu.memory_space<semaphore_mem>>) {add = true}
      %dma_wait3A_112 = arith.constant 0 : i32
      %dma_wait3A_113 = tpu.memref_slice %arg11[%run_scoped3A, %dma_wait3A_112] : memref<160x128xi32, #tpu.memory_space<vmem>> -> memref<1x128xi32, #tpu.memory_space<vmem>>
      %dma_wait3A_114 = tpu.memref_squeeze %dma_wait3A_113 : memref<1x128xi32, #tpu.memory_space<vmem>> -> memref<128xi32, #tpu.memory_space<vmem>>
      %dma_wait3A_115 = arith.constant 0 : i32
      %dma_wait3A_116 = arith.constant 0 : i32
      %dma_wait3A_117 = tpu.memref_slice %arg14[%dma_wait3A_115, %dma_wait3A_116] : memref<10112x64xf32, #tpu.memory_space<vmem_shared>> -> memref<10112x64xf32, #tpu.memory_space<vmem_shared>>
      tpu.wait_indirect_dma semaphore(%run_scoped3A_105 : memref<!tpu.dma_semaphore, #tpu.memory_space<semaphore_mem>>) src(%arg12 : memref<128x64xf32, #tpu.memory_space<vmem>>) dst(%dma_wait3A_117 : memref<10112x64xf32, #tpu.memory_space<vmem_shared>>)
      tpu.yield
    }) : () -> ()
    %run_scoped3A_90 = arith.constant 158 : i32
    "tpu.region"() ({
      %run_scoped3A_105 = tpu.sem_alloc : memref<!tpu.dma_semaphore, #tpu.memory_space<semaphore_mem>>
      %dma_start3A_106 = arith.constant 0 : i32
      %dma_start3A_107 = tpu.memref_slice %arg11[%run_scoped3A_90, %dma_start3A_106] : memref<160x128xi32, #tpu.memory_space<vmem>> -> memref<1x128xi32, #tpu.memory_space<vmem>>
      %dma_start3A_108 = tpu.memref_squeeze %dma_start3A_107 : memref<1x128xi32, #tpu.memory_space<vmem>> -> memref<128xi32, #tpu.memory_space<vmem>>
      %dma_start3A_109 = arith.constant 0 : i32
      %dma_start3A_110 = arith.constant 0 : i32
      %dma_start3A_111 = tpu.memref_slice %arg18[%dma_start3A_109, %dma_start3A_110] : memref<10112x8xf32, #tpu.memory_space<vmem_shared>> -> memref<10112x8xf32, #tpu.memory_space<vmem_shared>>
      tpu.enqueue_indirect_dma source(%arg17 : memref<128x8xf32, #tpu.memory_space<vmem>>) target(%dma_start3A_111 : memref<10112x8xf32, #tpu.memory_space<vmem_shared>>) offsets(%dma_start3A_108 : memref<128xi32, #tpu.memory_space<vmem>>) semaphore(%run_scoped3A_105 : memref<!tpu.dma_semaphore, #tpu.memory_space<semaphore_mem>>) {add = true}
      %dma_wait3A_112 = arith.constant 0 : i32
      %dma_wait3A_113 = tpu.memref_slice %arg11[%run_scoped3A_90, %dma_wait3A_112] : memref<160x128xi32, #tpu.memory_space<vmem>> -> memref<1x128xi32, #tpu.memory_space<vmem>>
      %dma_wait3A_114 = tpu.memref_squeeze %dma_wait3A_113 : memref<1x128xi32, #tpu.memory_space<vmem>> -> memref<128xi32, #tpu.memory_space<vmem>>
      %dma_wait3A_115 = arith.constant 0 : i32
      %dma_wait3A_116 = arith.constant 0 : i32
      %dma_wait3A_117 = tpu.memref_slice %arg18[%dma_wait3A_115, %dma_wait3A_116] : memref<10112x8xf32, #tpu.memory_space<vmem_shared>> -> memref<10112x8xf32, #tpu.memory_space<vmem_shared>>
      tpu.wait_indirect_dma semaphore(%run_scoped3A_105 : memref<!tpu.dma_semaphore, #tpu.memory_space<semaphore_mem>>) src(%arg17 : memref<128x8xf32, #tpu.memory_space<vmem>>) dst(%dma_wait3A_117 : memref<10112x8xf32, #tpu.memory_space<vmem_shared>>)
      tpu.yield
    }) : () -> ()
    %dma_wait3A_91 = arith.constant 159 : i32
    %dma_wait3A_92 = arith.constant 0 : i32
    %dma_wait3A_93 = tpu.memref_slice %arg10[%dma_wait3A_91, %dma_wait3A_92] : memref<160x128xi32, #tpu.memory_space<vmem>> -> memref<1x128xi32, #tpu.memory_space<vmem>>
    %dma_wait3A_94 = tpu.memref_squeeze %dma_wait3A_93 : memref<1x128xi32, #tpu.memory_space<vmem>> -> memref<128xi32, #tpu.memory_space<vmem>>
    %dma_wait3A_95 = arith.constant 0 : i32
    %dma_wait3A_96 = arith.constant 0 : i32
    %dma_wait3A_97 = tpu.memref_slice %arg2[%arg0, %dma_wait3A_95, %dma_wait3A_96] : memref<2x10000x64xf32, #tpu.memory_space<hbm>> -> memref<1x10000x64xf32, #tpu.memory_space<hbm>>
    %dma_wait3A_98 = tpu.memref_squeeze %dma_wait3A_97 : memref<1x10000x64xf32, #tpu.memory_space<hbm>> -> memref<10000x64xf32, #tpu.memory_space<hbm>>
    %dma_wait3A_99 = arith.constant 0 : i32
    %dma_wait3A_100 = arith.constant 0 : i32
    %dma_wait3A_101 = tpu.memref_slice %dma_wait3A_98[%dma_wait3A_99, %dma_wait3A_100] : memref<10000x64xf32, #tpu.memory_space<hbm>> -> memref<10000x64xf32, #tpu.memory_space<hbm>>
    tpu.wait_indirect_dma semaphore(%arg16 : memref<!tpu.dma_semaphore, #tpu.memory_space<semaphore_mem>>) src(%dma_wait3A_101 : memref<10000x64xf32, #tpu.memory_space<hbm>>) dst(%arg13 : memref<128x64xf32, #tpu.memory_space<vmem>>)
    %run_scoped3A_102 = arith.constant 159 : i32
    "tpu.region"() ({
      %run_scoped3A_105 = tpu.sem_alloc : memref<!tpu.dma_semaphore, #tpu.memory_space<semaphore_mem>>
      %dma_start3A_106 = arith.constant 0 : i32
      %dma_start3A_107 = tpu.memref_slice %arg11[%run_scoped3A_102, %dma_start3A_106] : memref<160x128xi32, #tpu.memory_space<vmem>> -> memref<1x128xi32, #tpu.memory_space<vmem>>
      %dma_start3A_108 = tpu.memref_squeeze %dma_start3A_107 : memref<1x128xi32, #tpu.memory_space<vmem>> -> memref<128xi32, #tpu.memory_space<vmem>>
      %dma_start3A_109 = arith.constant 0 : i32
      %dma_start3A_110 = arith.constant 0 : i32
      %dma_start3A_111 = tpu.memref_slice %arg14[%dma_start3A_109, %dma_start3A_110] : memref<10112x64xf32, #tpu.memory_space<vmem_shared>> -> memref<10112x64xf32, #tpu.memory_space<vmem_shared>>
      tpu.enqueue_indirect_dma source(%arg13 : memref<128x64xf32, #tpu.memory_space<vmem>>) target(%dma_start3A_111 : memref<10112x64xf32, #tpu.memory_space<vmem_shared>>) offsets(%dma_start3A_108 : memref<128xi32, #tpu.memory_space<vmem>>) semaphore(%run_scoped3A_105 : memref<!tpu.dma_semaphore, #tpu.memory_space<semaphore_mem>>) {add = true}
      %dma_wait3A_112 = arith.constant 0 : i32
      %dma_wait3A_113 = tpu.memref_slice %arg11[%run_scoped3A_102, %dma_wait3A_112] : memref<160x128xi32, #tpu.memory_space<vmem>> -> memref<1x128xi32, #tpu.memory_space<vmem>>
      %dma_wait3A_114 = tpu.memref_squeeze %dma_wait3A_113 : memref<1x128xi32, #tpu.memory_space<vmem>> -> memref<128xi32, #tpu.memory_space<vmem>>
      %dma_wait3A_115 = arith.constant 0 : i32
      %dma_wait3A_116 = arith.constant 0 : i32
      %dma_wait3A_117 = tpu.memref_slice %arg14[%dma_wait3A_115, %dma_wait3A_116] : memref<10112x64xf32, #tpu.memory_space<vmem_shared>> -> memref<10112x64xf32, #tpu.memory_space<vmem_shared>>
      tpu.wait_indirect_dma semaphore(%run_scoped3A_105 : memref<!tpu.dma_semaphore, #tpu.memory_space<semaphore_mem>>) src(%arg13 : memref<128x64xf32, #tpu.memory_space<vmem>>) dst(%dma_wait3A_117 : memref<10112x64xf32, #tpu.memory_space<vmem_shared>>)
      tpu.yield
    }) : () -> ()
    %run_scoped3A_103 = arith.constant 159 : i32
    "tpu.region"() ({
      %run_scoped3A_105 = tpu.sem_alloc : memref<!tpu.dma_semaphore, #tpu.memory_space<semaphore_mem>>
      %dma_start3A_106 = arith.constant 0 : i32
      %dma_start3A_107 = tpu.memref_slice %arg11[%run_scoped3A_103, %dma_start3A_106] : memref<160x128xi32, #tpu.memory_space<vmem>> -> memref<1x128xi32, #tpu.memory_space<vmem>>
      %dma_start3A_108 = tpu.memref_squeeze %dma_start3A_107 : memref<1x128xi32, #tpu.memory_space<vmem>> -> memref<128xi32, #tpu.memory_space<vmem>>
      %dma_start3A_109 = arith.constant 0 : i32
      %dma_start3A_110 = arith.constant 0 : i32
      %dma_start3A_111 = tpu.memref_slice %arg18[%dma_start3A_109, %dma_start3A_110] : memref<10112x8xf32, #tpu.memory_space<vmem_shared>> -> memref<10112x8xf32, #tpu.memory_space<vmem_shared>>
      tpu.enqueue_indirect_dma source(%arg17 : memref<128x8xf32, #tpu.memory_space<vmem>>) target(%dma_start3A_111 : memref<10112x8xf32, #tpu.memory_space<vmem_shared>>) offsets(%dma_start3A_108 : memref<128xi32, #tpu.memory_space<vmem>>) semaphore(%run_scoped3A_105 : memref<!tpu.dma_semaphore, #tpu.memory_space<semaphore_mem>>) {add = true}
      %dma_wait3A_112 = arith.constant 0 : i32
      %dma_wait3A_113 = tpu.memref_slice %arg11[%run_scoped3A_103, %dma_wait3A_112] : memref<160x128xi32, #tpu.memory_space<vmem>> -> memref<1x128xi32, #tpu.memory_space<vmem>>
      %dma_wait3A_114 = tpu.memref_squeeze %dma_wait3A_113 : memref<1x128xi32, #tpu.memory_space<vmem>> -> memref<128xi32, #tpu.memory_space<vmem>>
      %dma_wait3A_115 = arith.constant 0 : i32
      %dma_wait3A_116 = arith.constant 0 : i32
      %dma_wait3A_117 = tpu.memref_slice %arg18[%dma_wait3A_115, %dma_wait3A_116] : memref<10112x8xf32, #tpu.memory_space<vmem_shared>> -> memref<10112x8xf32, #tpu.memory_space<vmem_shared>>
      tpu.wait_indirect_dma semaphore(%run_scoped3A_105 : memref<!tpu.dma_semaphore, #tpu.memory_space<semaphore_mem>>) src(%arg17 : memref<128x8xf32, #tpu.memory_space<vmem>>) dst(%dma_wait3A_117 : memref<10112x8xf32, #tpu.memory_space<vmem_shared>>)
      tpu.yield
    }) : () -> ()
    %barrier3A_104 = arith.constant 0 : index
    tpu.barrier barrier_id(%barrier3A_104)
    "tpu.region"() ({
      %run_scoped3A_105 = tpu.sem_alloc : memref<!tpu.dma_semaphore, #tpu.memory_space<semaphore_mem>>
      %dma_start3A_106 = arith.constant 0 : i32
      %dma_start3A_107 = tpu.memref_slice %arg8[%arg0, %multiple_of3A, %dma_start3A_106] : memref<2x10112x64xf32, #tpu.memory_space<hbm>> -> memref<1x632x64xf32, #tpu.memory_space<hbm>>
      %dma_start3A_108 = tpu.memref_squeeze %dma_start3A_107 : memref<1x632x64xf32, #tpu.memory_space<hbm>> -> memref<632x64xf32, #tpu.memory_space<hbm>>
      %dma_start3A_109 = arith.constant 0 : i32
      %dma_start3A_110 = tpu.memref_slice %arg14[%multiple_of3A, %dma_start3A_109] : memref<10112x64xf32, #tpu.memory_space<vmem_shared>> -> memref<632x64xf32, #tpu.memory_space<vmem_shared>>
      tpu.enqueue_dma source(%dma_start3A_110 : memref<632x64xf32, #tpu.memory_space<vmem_shared>>) target(%dma_start3A_108 : memref<632x64xf32, #tpu.memory_space<hbm>>) target_semaphore(%run_scoped3A_105 : memref<!tpu.dma_semaphore, #tpu.memory_space<semaphore_mem>>)
      %dma_wait3A_111 = arith.constant 0 : i32
      %dma_wait3A_112 = tpu.memref_slice %arg8[%arg0, %multiple_of3A, %dma_wait3A_111] : memref<2x10112x64xf32, #tpu.memory_space<hbm>> -> memref<1x632x64xf32, #tpu.memory_space<hbm>>
      %dma_wait3A_113 = tpu.memref_squeeze %dma_wait3A_112 : memref<1x632x64xf32, #tpu.memory_space<hbm>> -> memref<632x64xf32, #tpu.memory_space<hbm>>
      %dma_wait3A_114 = arith.constant 0 : i32
      %dma_wait3A_115 = tpu.memref_slice %arg14[%multiple_of3A, %dma_wait3A_114] : memref<10112x64xf32, #tpu.memory_space<vmem_shared>> -> memref<632x64xf32, #tpu.memory_space<vmem_shared>>
      tpu.wait_dma2 semaphore(%run_scoped3A_105 : memref<!tpu.dma_semaphore, #tpu.memory_space<semaphore_mem>>) src(%dma_wait3A_115 : memref<632x64xf32, #tpu.memory_space<vmem_shared>>) dst(%dma_wait3A_113 : memref<632x64xf32, #tpu.memory_space<hbm>>)
      tpu.yield
    }) : () -> ()
    "tpu.region"() ({
      %run_scoped3A_105 = tpu.sem_alloc : memref<!tpu.dma_semaphore, #tpu.memory_space<semaphore_mem>>
      %dma_start3A_106 = arith.constant 0 : i32
      %dma_start3A_107 = tpu.memref_slice %arg9[%arg0, %multiple_of3A, %dma_start3A_106] : memref<2x10112x8xf32, #tpu.memory_space<hbm>> -> memref<1x632x8xf32, #tpu.memory_space<hbm>>
      %dma_start3A_108 = tpu.memref_squeeze %dma_start3A_107 : memref<1x632x8xf32, #tpu.memory_space<hbm>> -> memref<632x8xf32, #tpu.memory_space<hbm>>
      %dma_start3A_109 = arith.constant 0 : i32
      %dma_start3A_110 = tpu.memref_slice %arg18[%multiple_of3A, %dma_start3A_109] : memref<10112x8xf32, #tpu.memory_space<vmem_shared>> -> memref<632x8xf32, #tpu.memory_space<vmem_shared>>
      tpu.enqueue_dma source(%dma_start3A_110 : memref<632x8xf32, #tpu.memory_space<vmem_shared>>) target(%dma_start3A_108 : memref<632x8xf32, #tpu.memory_space<hbm>>) target_semaphore(%run_scoped3A_105 : memref<!tpu.dma_semaphore, #tpu.memory_space<semaphore_mem>>)
      %dma_wait3A_111 = arith.constant 0 : i32
      %dma_wait3A_112 = tpu.memref_slice %arg9[%arg0, %multiple_of3A, %dma_wait3A_111] : memref<2x10112x8xf32, #tpu.memory_space<hbm>> -> memref<1x632x8xf32, #tpu.memory_space<hbm>>
      %dma_wait3A_113 = tpu.memref_squeeze %dma_wait3A_112 : memref<1x632x8xf32, #tpu.memory_space<hbm>> -> memref<632x8xf32, #tpu.memory_space<hbm>>
      %dma_wait3A_114 = arith.constant 0 : i32
      %dma_wait3A_115 = tpu.memref_slice %arg18[%multiple_of3A, %dma_wait3A_114] : memref<10112x8xf32, #tpu.memory_space<vmem_shared>> -> memref<632x8xf32, #tpu.memory_space<vmem_shared>>
      tpu.wait_dma2 semaphore(%run_scoped3A_105 : memref<!tpu.dma_semaphore, #tpu.memory_space<semaphore_mem>>) src(%dma_wait3A_115 : memref<632x8xf32, #tpu.memory_space<vmem_shared>>) dst(%dma_wait3A_113 : memref<632x8xf32, #tpu.memory_space<hbm>>)
      tpu.yield
    }) : () -> ()
    return
  }
}

#map = affine_map<(d0, d1) -> (0, 0, 0)>
#map1 = affine_map<(d0, d1) -> (0, 0)>
module attributes {stable_mosaic.version = 14 : i64} {
  func.func @body(%arg0: i32, %arg1: i32, %arg2: memref<2x10000x64xf32, #tpu.memory_space<hbm>>, %arg3: memref<16x160x128xi32, #tpu.memory_space<hbm>>, %arg4: memref<16x160x128xi32, #tpu.memory_space<hbm>>, %arg5: memref<632x64xf32, #tpu.memory_space<hbm>>, %arg6: memref<632x8xf32, #tpu.memory_space<hbm>>, %arg7: memref<128x8xf32, #tpu.memory_space<hbm>>, %arg8: memref<2x10112x64xf32, #tpu.memory_space<hbm>>, %arg9: memref<160x128xi32, #tpu.memory_space<vmem>>, %arg10: memref<160x128xi32, #tpu.memory_space<vmem>>, %arg11: memref<128x64xf32, #tpu.memory_space<vmem>>, %arg12: memref<128x64xf32, #tpu.memory_space<vmem>>, %arg13: memref<10112x64xf32, #tpu.memory_space<vmem_shared>>, %arg14: memref<!tpu.dma_semaphore, #tpu.memory_space<semaphore_mem>>, %arg15: memref<!tpu.dma_semaphore, #tpu.memory_space<semaphore_mem>>) attributes {dimension_semantics = [#tpu.dimension_semantics<core_parallel>, #tpu.dimension_semantics<subcore_parallel>], iteration_bounds = array<i64: 2, 16>, scalar_prefetch = 0 : i64, scratch_operands = 7 : i64, tpu.core_type = #tpu.core_type<sc_vector_subcore>, window_params = [{transform_indices = #map}, {transform_indices = #map}, {transform_indices = #map}, {transform_indices = #map1}, {transform_indices = #map1}, {transform_indices = #map1}, {transform_indices = #map}]} {
    %mul3A = arith.constant 632 : i32
    %mul3A_0 = arith.muli %arg1, %mul3A : i32
    %multiple_of3A = tpu.assume_multiple %mul3A_0, 8 : i32
    "tpu.region"() ({
      %run_scoped3A_103 = tpu.sem_alloc : memref<!tpu.dma_semaphore, #tpu.memory_space<semaphore_mem>>
      %dma_start3A_104 = arith.constant 0 : i32
      %dma_start3A_105 = tpu.memref_slice %arg13[%multiple_of3A, %dma_start3A_104] : memref<10112x64xf32, #tpu.memory_space<vmem_shared>> -> memref<632x64xf32, #tpu.memory_space<vmem_shared>>
      tpu.enqueue_dma source(%arg5 : memref<632x64xf32, #tpu.memory_space<hbm>>) target(%dma_start3A_105 : memref<632x64xf32, #tpu.memory_space<vmem_shared>>) target_semaphore(%run_scoped3A_103 : memref<!tpu.dma_semaphore, #tpu.memory_space<semaphore_mem>>)
      %dma_wait3A_106 = arith.constant 0 : i32
      %dma_wait3A_107 = tpu.memref_slice %arg13[%multiple_of3A, %dma_wait3A_106] : memref<10112x64xf32, #tpu.memory_space<vmem_shared>> -> memref<632x64xf32, #tpu.memory_space<vmem_shared>>
      tpu.wait_dma2 semaphore(%run_scoped3A_103 : memref<!tpu.dma_semaphore, #tpu.memory_space<semaphore_mem>>) src(%arg5 : memref<632x64xf32, #tpu.memory_space<hbm>>) dst(%dma_wait3A_107 : memref<632x64xf32, #tpu.memory_space<vmem_shared>>)
      tpu.yield
    }) : () -> ()
    "tpu.region"() ({
      %run_scoped3A_103 = tpu.sem_alloc : memref<!tpu.dma_semaphore, #tpu.memory_space<semaphore_mem>>
      %dma_start3A_104 = arith.constant 0 : i32
      %dma_start3A_105 = arith.constant 0 : i32
      %dma_start3A_106 = tpu.memref_slice %arg3[%arg1, %dma_start3A_104, %dma_start3A_105] : memref<16x160x128xi32, #tpu.memory_space<hbm>> -> memref<1x160x128xi32, #tpu.memory_space<hbm>>
      %dma_start3A_107 = tpu.memref_squeeze %dma_start3A_106 : memref<1x160x128xi32, #tpu.memory_space<hbm>> -> memref<160x128xi32, #tpu.memory_space<hbm>>
      %dma_start3A_108 = arith.constant 0 : i32
      %dma_start3A_109 = arith.constant 0 : i32
      %dma_start3A_110 = tpu.memref_slice %arg3[%arg1, %dma_start3A_108, %dma_start3A_109] : memref<16x160x128xi32, #tpu.memory_space<hbm>> -> memref<1x160x128xi32, #tpu.memory_space<hbm>>
      %dma_start3A_111 = tpu.memref_squeeze %dma_start3A_110 : memref<1x160x128xi32, #tpu.memory_space<hbm>> -> memref<160x128xi32, #tpu.memory_space<hbm>>
      tpu.enqueue_dma source(%dma_start3A_111 : memref<160x128xi32, #tpu.memory_space<hbm>>) target(%arg9 : memref<160x128xi32, #tpu.memory_space<vmem>>) target_semaphore(%run_scoped3A_103 : memref<!tpu.dma_semaphore, #tpu.memory_space<semaphore_mem>>)
      %dma_wait3A_112 = arith.constant 0 : i32
      %dma_wait3A_113 = arith.constant 0 : i32
      %dma_wait3A_114 = tpu.memref_slice %arg3[%arg1, %dma_wait3A_112, %dma_wait3A_113] : memref<16x160x128xi32, #tpu.memory_space<hbm>> -> memref<1x160x128xi32, #tpu.memory_space<hbm>>
      %dma_wait3A_115 = tpu.memref_squeeze %dma_wait3A_114 : memref<1x160x128xi32, #tpu.memory_space<hbm>> -> memref<160x128xi32, #tpu.memory_space<hbm>>
      %dma_wait3A_116 = arith.constant 0 : i32
      %dma_wait3A_117 = arith.constant 0 : i32
      %dma_wait3A_118 = tpu.memref_slice %arg3[%arg1, %dma_wait3A_116, %dma_wait3A_117] : memref<16x160x128xi32, #tpu.memory_space<hbm>> -> memref<1x160x128xi32, #tpu.memory_space<hbm>>
      %dma_wait3A_119 = tpu.memref_squeeze %dma_wait3A_118 : memref<1x160x128xi32, #tpu.memory_space<hbm>> -> memref<160x128xi32, #tpu.memory_space<hbm>>
      tpu.wait_dma2 semaphore(%run_scoped3A_103 : memref<!tpu.dma_semaphore, #tpu.memory_space<semaphore_mem>>) src(%dma_wait3A_119 : memref<160x128xi32, #tpu.memory_space<hbm>>) dst(%arg9 : memref<160x128xi32, #tpu.memory_space<vmem>>)
      tpu.yield
    }) : () -> ()
    "tpu.region"() ({
      %run_scoped3A_103 = tpu.sem_alloc : memref<!tpu.dma_semaphore, #tpu.memory_space<semaphore_mem>>
      %dma_start3A_104 = arith.constant 0 : i32
      %dma_start3A_105 = arith.constant 0 : i32
      %dma_start3A_106 = tpu.memref_slice %arg4[%arg1, %dma_start3A_104, %dma_start3A_105] : memref<16x160x128xi32, #tpu.memory_space<hbm>> -> memref<1x160x128xi32, #tpu.memory_space<hbm>>
      %dma_start3A_107 = tpu.memref_squeeze %dma_start3A_106 : memref<1x160x128xi32, #tpu.memory_space<hbm>> -> memref<160x128xi32, #tpu.memory_space<hbm>>
      %dma_start3A_108 = arith.constant 0 : i32
      %dma_start3A_109 = arith.constant 0 : i32
      %dma_start3A_110 = tpu.memref_slice %arg4[%arg1, %dma_start3A_108, %dma_start3A_109] : memref<16x160x128xi32, #tpu.memory_space<hbm>> -> memref<1x160x128xi32, #tpu.memory_space<hbm>>
      %dma_start3A_111 = tpu.memref_squeeze %dma_start3A_110 : memref<1x160x128xi32, #tpu.memory_space<hbm>> -> memref<160x128xi32, #tpu.memory_space<hbm>>
      tpu.enqueue_dma source(%dma_start3A_111 : memref<160x128xi32, #tpu.memory_space<hbm>>) target(%arg10 : memref<160x128xi32, #tpu.memory_space<vmem>>) target_semaphore(%run_scoped3A_103 : memref<!tpu.dma_semaphore, #tpu.memory_space<semaphore_mem>>)
      %dma_wait3A_112 = arith.constant 0 : i32
      %dma_wait3A_113 = arith.constant 0 : i32
      %dma_wait3A_114 = tpu.memref_slice %arg4[%arg1, %dma_wait3A_112, %dma_wait3A_113] : memref<16x160x128xi32, #tpu.memory_space<hbm>> -> memref<1x160x128xi32, #tpu.memory_space<hbm>>
      %dma_wait3A_115 = tpu.memref_squeeze %dma_wait3A_114 : memref<1x160x128xi32, #tpu.memory_space<hbm>> -> memref<160x128xi32, #tpu.memory_space<hbm>>
      %dma_wait3A_116 = arith.constant 0 : i32
      %dma_wait3A_117 = arith.constant 0 : i32
      %dma_wait3A_118 = tpu.memref_slice %arg4[%arg1, %dma_wait3A_116, %dma_wait3A_117] : memref<16x160x128xi32, #tpu.memory_space<hbm>> -> memref<1x160x128xi32, #tpu.memory_space<hbm>>
      %dma_wait3A_119 = tpu.memref_squeeze %dma_wait3A_118 : memref<1x160x128xi32, #tpu.memory_space<hbm>> -> memref<160x128xi32, #tpu.memory_space<hbm>>
      tpu.wait_dma2 semaphore(%run_scoped3A_103 : memref<!tpu.dma_semaphore, #tpu.memory_space<semaphore_mem>>) src(%dma_wait3A_119 : memref<160x128xi32, #tpu.memory_space<hbm>>) dst(%arg10 : memref<160x128xi32, #tpu.memory_space<vmem>>)
      tpu.yield
    }) : () -> ()
    %barrier3A = arith.constant 0 : index
    tpu.barrier barrier_id(%barrier3A)
    %dma_start3A = arith.constant 0 : i32
    %dma_start3A_1 = arith.constant 0 : i32
    %dma_start3A_2 = tpu.memref_slice %arg9[%dma_start3A, %dma_start3A_1] : memref<160x128xi32, #tpu.memory_space<vmem>> -> memref<1x128xi32, #tpu.memory_space<vmem>>
    %dma_start3A_3 = tpu.memref_squeeze %dma_start3A_2 : memref<1x128xi32, #tpu.memory_space<vmem>> -> memref<128xi32, #tpu.memory_space<vmem>>
    %dma_start3A_4 = arith.constant 0 : i32
    %dma_start3A_5 = arith.constant 0 : i32
    %dma_start3A_6 = tpu.memref_slice %arg2[%arg0, %dma_start3A_4, %dma_start3A_5] : memref<2x10000x64xf32, #tpu.memory_space<hbm>> -> memref<1x10000x64xf32, #tpu.memory_space<hbm>>
    %dma_start3A_7 = tpu.memref_squeeze %dma_start3A_6 : memref<1x10000x64xf32, #tpu.memory_space<hbm>> -> memref<10000x64xf32, #tpu.memory_space<hbm>>
    %dma_start3A_8 = arith.constant 0 : i32
    %dma_start3A_9 = arith.constant 0 : i32
    %dma_start3A_10 = tpu.memref_slice %dma_start3A_7[%dma_start3A_8, %dma_start3A_9] : memref<10000x64xf32, #tpu.memory_space<hbm>> -> memref<10000x64xf32, #tpu.memory_space<hbm>>
    tpu.enqueue_indirect_dma source(%dma_start3A_10 : memref<10000x64xf32, #tpu.memory_space<hbm>>) target(%arg11 : memref<128x64xf32, #tpu.memory_space<vmem>>) offsets(%dma_start3A_3 : memref<128xi32, #tpu.memory_space<vmem>>) semaphore(%arg14 : memref<!tpu.dma_semaphore, #tpu.memory_space<semaphore_mem>>)
    %dma_start3A_11 = arith.constant 1 : i32
    %dma_start3A_12 = arith.constant 0 : i32
    %dma_start3A_13 = tpu.memref_slice %arg9[%dma_start3A_11, %dma_start3A_12] : memref<160x128xi32, #tpu.memory_space<vmem>> -> memref<1x128xi32, #tpu.memory_space<vmem>>
    %dma_start3A_14 = tpu.memref_squeeze %dma_start3A_13 : memref<1x128xi32, #tpu.memory_space<vmem>> -> memref<128xi32, #tpu.memory_space<vmem>>
    %dma_start3A_15 = arith.constant 0 : i32
    %dma_start3A_16 = arith.constant 0 : i32
    %dma_start3A_17 = tpu.memref_slice %arg2[%arg0, %dma_start3A_15, %dma_start3A_16] : memref<2x10000x64xf32, #tpu.memory_space<hbm>> -> memref<1x10000x64xf32, #tpu.memory_space<hbm>>
    %dma_start3A_18 = tpu.memref_squeeze %dma_start3A_17 : memref<1x10000x64xf32, #tpu.memory_space<hbm>> -> memref<10000x64xf32, #tpu.memory_space<hbm>>
    %dma_start3A_19 = arith.constant 0 : i32
    %dma_start3A_20 = arith.constant 0 : i32
    %dma_start3A_21 = tpu.memref_slice %dma_start3A_18[%dma_start3A_19, %dma_start3A_20] : memref<10000x64xf32, #tpu.memory_space<hbm>> -> memref<10000x64xf32, #tpu.memory_space<hbm>>
    tpu.enqueue_indirect_dma source(%dma_start3A_21 : memref<10000x64xf32, #tpu.memory_space<hbm>>) target(%arg12 : memref<128x64xf32, #tpu.memory_space<vmem>>) offsets(%dma_start3A_14 : memref<128xi32, #tpu.memory_space<vmem>>) semaphore(%arg15 : memref<!tpu.dma_semaphore, #tpu.memory_space<semaphore_mem>>)
    %scan3A = arith.constant 0 : i32
    %scan3A_22 = arith.constant 0 : i32
    %scan3A_23 = arith.constant 78 : i32
    %scan3A_24 = arith.addi %scan3A_22, %scan3A_23 : i32
    %scan3A_25 = arith.constant 2 : i32
    scf.for %scan3A_103 = %scan3A_22 to %scan3A_24 step %scan3A_25  : i32 {
      %mul3A_104 = arith.constant 2 : i32
      %mul3A_105 = arith.muli %scan3A_103, %mul3A_104 : i32
      %add3A_106 = arith.constant 0 : i32
      %add3A_107 = arith.addi %mul3A_105, %add3A_106 : i32
      %dma_wait3A_108 = arith.constant 0 : i32
      %dma_wait3A_109 = tpu.memref_slice %arg9[%add3A_107, %dma_wait3A_108] : memref<160x128xi32, #tpu.memory_space<vmem>> -> memref<1x128xi32, #tpu.memory_space<vmem>>
      %dma_wait3A_110 = tpu.memref_squeeze %dma_wait3A_109 : memref<1x128xi32, #tpu.memory_space<vmem>> -> memref<128xi32, #tpu.memory_space<vmem>>
      %dma_wait3A_111 = arith.constant 0 : i32
      %dma_wait3A_112 = arith.constant 0 : i32
      %dma_wait3A_113 = tpu.memref_slice %arg2[%arg0, %dma_wait3A_111, %dma_wait3A_112] : memref<2x10000x64xf32, #tpu.memory_space<hbm>> -> memref<1x10000x64xf32, #tpu.memory_space<hbm>>
      %dma_wait3A_114 = tpu.memref_squeeze %dma_wait3A_113 : memref<1x10000x64xf32, #tpu.memory_space<hbm>> -> memref<10000x64xf32, #tpu.memory_space<hbm>>
      %dma_wait3A_115 = arith.constant 0 : i32
      %dma_wait3A_116 = arith.constant 0 : i32
      %dma_wait3A_117 = tpu.memref_slice %dma_wait3A_114[%dma_wait3A_115, %dma_wait3A_116] : memref<10000x64xf32, #tpu.memory_space<hbm>> -> memref<10000x64xf32, #tpu.memory_space<hbm>>
      tpu.wait_indirect_dma semaphore(%arg14 : memref<!tpu.dma_semaphore, #tpu.memory_space<semaphore_mem>>) src(%dma_wait3A_117 : memref<10000x64xf32, #tpu.memory_space<hbm>>) dst(%arg11 : memref<128x64xf32, #tpu.memory_space<vmem>>)
      %add3A_118 = arith.constant 2 : i32
      %add3A_119 = arith.addi %add3A_107, %add3A_118 : i32
      %dma_start3A_120 = arith.constant 0 : i32
      %dma_start3A_121 = tpu.memref_slice %arg9[%add3A_119, %dma_start3A_120] : memref<160x128xi32, #tpu.memory_space<vmem>> -> memref<1x128xi32, #tpu.memory_space<vmem>>
      %dma_start3A_122 = tpu.memref_squeeze %dma_start3A_121 : memref<1x128xi32, #tpu.memory_space<vmem>> -> memref<128xi32, #tpu.memory_space<vmem>>
      %dma_start3A_123 = arith.constant 0 : i32
      %dma_start3A_124 = arith.constant 0 : i32
      %dma_start3A_125 = tpu.memref_slice %arg2[%arg0, %dma_start3A_123, %dma_start3A_124] : memref<2x10000x64xf32, #tpu.memory_space<hbm>> -> memref<1x10000x64xf32, #tpu.memory_space<hbm>>
      %dma_start3A_126 = tpu.memref_squeeze %dma_start3A_125 : memref<1x10000x64xf32, #tpu.memory_space<hbm>> -> memref<10000x64xf32, #tpu.memory_space<hbm>>
      %dma_start3A_127 = arith.constant 0 : i32
      %dma_start3A_128 = arith.constant 0 : i32
      %dma_start3A_129 = tpu.memref_slice %dma_start3A_126[%dma_start3A_127, %dma_start3A_128] : memref<10000x64xf32, #tpu.memory_space<hbm>> -> memref<10000x64xf32, #tpu.memory_space<hbm>>
      tpu.enqueue_indirect_dma source(%dma_start3A_129 : memref<10000x64xf32, #tpu.memory_space<hbm>>) target(%arg11 : memref<128x64xf32, #tpu.memory_space<vmem>>) offsets(%dma_start3A_122 : memref<128xi32, #tpu.memory_space<vmem>>) semaphore(%arg14 : memref<!tpu.dma_semaphore, #tpu.memory_space<semaphore_mem>>)
      "tpu.region"() ({
        %run_scoped3A_210 = tpu.sem_alloc : memref<!tpu.dma_semaphore, #tpu.memory_space<semaphore_mem>>
        %dma_start3A_211 = arith.constant 0 : i32
        %dma_start3A_212 = tpu.memref_slice %arg10[%add3A_107, %dma_start3A_211] : memref<160x128xi32, #tpu.memory_space<vmem>> -> memref<1x128xi32, #tpu.memory_space<vmem>>
        %dma_start3A_213 = tpu.memref_squeeze %dma_start3A_212 : memref<1x128xi32, #tpu.memory_space<vmem>> -> memref<128xi32, #tpu.memory_space<vmem>>
        %dma_start3A_214 = arith.constant 0 : i32
        %dma_start3A_215 = arith.constant 0 : i32
        %dma_start3A_216 = tpu.memref_slice %arg13[%dma_start3A_214, %dma_start3A_215] : memref<10112x64xf32, #tpu.memory_space<vmem_shared>> -> memref<10112x64xf32, #tpu.memory_space<vmem_shared>>
        tpu.enqueue_indirect_dma source(%arg11 : memref<128x64xf32, #tpu.memory_space<vmem>>) target(%dma_start3A_216 : memref<10112x64xf32, #tpu.memory_space<vmem_shared>>) offsets(%dma_start3A_213 : memref<128xi32, #tpu.memory_space<vmem>>) semaphore(%run_scoped3A_210 : memref<!tpu.dma_semaphore, #tpu.memory_space<semaphore_mem>>) {add = true}
        %dma_wait3A_217 = arith.constant 0 : i32
        %dma_wait3A_218 = tpu.memref_slice %arg10[%add3A_107, %dma_wait3A_217] : memref<160x128xi32, #tpu.memory_space<vmem>> -> memref<1x128xi32, #tpu.memory_space<vmem>>
        %dma_wait3A_219 = tpu.memref_squeeze %dma_wait3A_218 : memref<1x128xi32, #tpu.memory_space<vmem>> -> memref<128xi32, #tpu.memory_space<vmem>>
        %dma_wait3A_220 = arith.constant 0 : i32
        %dma_wait3A_221 = arith.constant 0 : i32
        %dma_wait3A_222 = tpu.memref_slice %arg13[%dma_wait3A_220, %dma_wait3A_221] : memref<10112x64xf32, #tpu.memory_space<vmem_shared>> -> memref<10112x64xf32, #tpu.memory_space<vmem_shared>>
        tpu.wait_indirect_dma semaphore(%run_scoped3A_210 : memref<!tpu.dma_semaphore, #tpu.memory_space<semaphore_mem>>) src(%arg11 : memref<128x64xf32, #tpu.memory_space<vmem>>) dst(%dma_wait3A_222 : memref<10112x64xf32, #tpu.memory_space<vmem_shared>>)
        tpu.yield
      }) : () -> ()
      %mul3A_130 = arith.constant 2 : i32
      %mul3A_131 = arith.muli %scan3A_103, %mul3A_130 : i32
      %add3A_132 = arith.constant 1 : i32
      %add3A_133 = arith.addi %mul3A_131, %add3A_132 : i32
      %dma_wait3A_134 = arith.constant 0 : i32
      %dma_wait3A_135 = tpu.memref_slice %arg9[%add3A_133, %dma_wait3A_134] : memref<160x128xi32, #tpu.memory_space<vmem>> -> memref<1x128xi32, #tpu.memory_space<vmem>>
      %dma_wait3A_136 = tpu.memref_squeeze %dma_wait3A_135 : memref<1x128xi32, #tpu.memory_space<vmem>> -> memref<128xi32, #tpu.memory_space<vmem>>
      %dma_wait3A_137 = arith.constant 0 : i32
      %dma_wait3A_138 = arith.constant 0 : i32
      %dma_wait3A_139 = tpu.memref_slice %arg2[%arg0, %dma_wait3A_137, %dma_wait3A_138] : memref<2x10000x64xf32, #tpu.memory_space<hbm>> -> memref<1x10000x64xf32, #tpu.memory_space<hbm>>
      %dma_wait3A_140 = tpu.memref_squeeze %dma_wait3A_139 : memref<1x10000x64xf32, #tpu.memory_space<hbm>> -> memref<10000x64xf32, #tpu.memory_space<hbm>>
      %dma_wait3A_141 = arith.constant 0 : i32
      %dma_wait3A_142 = arith.constant 0 : i32
      %dma_wait3A_143 = tpu.memref_slice %dma_wait3A_140[%dma_wait3A_141, %dma_wait3A_142] : memref<10000x64xf32, #tpu.memory_space<hbm>> -> memref<10000x64xf32, #tpu.memory_space<hbm>>
      tpu.wait_indirect_dma semaphore(%arg15 : memref<!tpu.dma_semaphore, #tpu.memory_space<semaphore_mem>>) src(%dma_wait3A_143 : memref<10000x64xf32, #tpu.memory_space<hbm>>) dst(%arg12 : memref<128x64xf32, #tpu.memory_space<vmem>>)
      %add3A_144 = arith.constant 2 : i32
      %add3A_145 = arith.addi %add3A_133, %add3A_144 : i32
      %dma_start3A_146 = arith.constant 0 : i32
      %dma_start3A_147 = tpu.memref_slice %arg9[%add3A_145, %dma_start3A_146] : memref<160x128xi32, #tpu.memory_space<vmem>> -> memref<1x128xi32, #tpu.memory_space<vmem>>
      %dma_start3A_148 = tpu.memref_squeeze %dma_start3A_147 : memref<1x128xi32, #tpu.memory_space<vmem>> -> memref<128xi32, #tpu.memory_space<vmem>>
      %dma_start3A_149 = arith.constant 0 : i32
      %dma_start3A_150 = arith.constant 0 : i32
      %dma_start3A_151 = tpu.memref_slice %arg2[%arg0, %dma_start3A_149, %dma_start3A_150] : memref<2x10000x64xf32, #tpu.memory_space<hbm>> -> memref<1x10000x64xf32, #tpu.memory_space<hbm>>
      %dma_start3A_152 = tpu.memref_squeeze %dma_start3A_151 : memref<1x10000x64xf32, #tpu.memory_space<hbm>> -> memref<10000x64xf32, #tpu.memory_space<hbm>>
      %dma_start3A_153 = arith.constant 0 : i32
      %dma_start3A_154 = arith.constant 0 : i32
      %dma_start3A_155 = tpu.memref_slice %dma_start3A_152[%dma_start3A_153, %dma_start3A_154] : memref<10000x64xf32, #tpu.memory_space<hbm>> -> memref<10000x64xf32, #tpu.memory_space<hbm>>
      tpu.enqueue_indirect_dma source(%dma_start3A_155 : memref<10000x64xf32, #tpu.memory_space<hbm>>) target(%arg12 : memref<128x64xf32, #tpu.memory_space<vmem>>) offsets(%dma_start3A_148 : memref<128xi32, #tpu.memory_space<vmem>>) semaphore(%arg15 : memref<!tpu.dma_semaphore, #tpu.memory_space<semaphore_mem>>)
      "tpu.region"() ({
        %run_scoped3A_210 = tpu.sem_alloc : memref<!tpu.dma_semaphore, #tpu.memory_space<semaphore_mem>>
        %dma_start3A_211 = arith.constant 0 : i32
        %dma_start3A_212 = tpu.memref_slice %arg10[%add3A_133, %dma_start3A_211] : memref<160x128xi32, #tpu.memory_space<vmem>> -> memref<1x128xi32, #tpu.memory_space<vmem>>
        %dma_start3A_213 = tpu.memref_squeeze %dma_start3A_212 : memref<1x128xi32, #tpu.memory_space<vmem>> -> memref<128xi32, #tpu.memory_space<vmem>>
        %dma_start3A_214 = arith.constant 0 : i32
        %dma_start3A_215 = arith.constant 0 : i32
        %dma_start3A_216 = tpu.memref_slice %arg13[%dma_start3A_214, %dma_start3A_215] : memref<10112x64xf32, #tpu.memory_space<vmem_shared>> -> memref<10112x64xf32, #tpu.memory_space<vmem_shared>>
        tpu.enqueue_indirect_dma source(%arg12 : memref<128x64xf32, #tpu.memory_space<vmem>>) target(%dma_start3A_216 : memref<10112x64xf32, #tpu.memory_space<vmem_shared>>) offsets(%dma_start3A_213 : memref<128xi32, #tpu.memory_space<vmem>>) semaphore(%run_scoped3A_210 : memref<!tpu.dma_semaphore, #tpu.memory_space<semaphore_mem>>) {add = true}
        %dma_wait3A_217 = arith.constant 0 : i32
        %dma_wait3A_218 = tpu.memref_slice %arg10[%add3A_133, %dma_wait3A_217] : memref<160x128xi32, #tpu.memory_space<vmem>> -> memref<1x128xi32, #tpu.memory_space<vmem>>
        %dma_wait3A_219 = tpu.memref_squeeze %dma_wait3A_218 : memref<1x128xi32, #tpu.memory_space<vmem>> -> memref<128xi32, #tpu.memory_space<vmem>>
        %dma_wait3A_220 = arith.constant 0 : i32
        %dma_wait3A_221 = arith.constant 0 : i32
        %dma_wait3A_222 = tpu.memref_slice %arg13[%dma_wait3A_220, %dma_wait3A_221] : memref<10112x64xf32, #tpu.memory_space<vmem_shared>> -> memref<10112x64xf32, #tpu.memory_space<vmem_shared>>
        tpu.wait_indirect_dma semaphore(%run_scoped3A_210 : memref<!tpu.dma_semaphore, #tpu.memory_space<semaphore_mem>>) src(%arg12 : memref<128x64xf32, #tpu.memory_space<vmem>>) dst(%dma_wait3A_222 : memref<10112x64xf32, #tpu.memory_space<vmem_shared>>)
        tpu.yield
      }) : () -> ()
      %scan3A_156 = arith.constant 1 : i32
      %scan3A_157 = arith.addi %scan3A_103, %scan3A_156 : i32
      %mul3A_158 = arith.constant 2 : i32
      %mul3A_159 = arith.muli %scan3A_157, %mul3A_158 : i32
      %add3A_160 = arith.constant 0 : i32
      %add3A_161 = arith.addi %mul3A_159, %add3A_160 : i32
      %dma_wait3A_162 = arith.constant 0 : i32
      %dma_wait3A_163 = tpu.memref_slice %arg9[%add3A_161, %dma_wait3A_162] : memref<160x128xi32, #tpu.memory_space<vmem>> -> memref<1x128xi32, #tpu.memory_space<vmem>>
      %dma_wait3A_164 = tpu.memref_squeeze %dma_wait3A_163 : memref<1x128xi32, #tpu.memory_space<vmem>> -> memref<128xi32, #tpu.memory_space<vmem>>
      %dma_wait3A_165 = arith.constant 0 : i32
      %dma_wait3A_166 = arith.constant 0 : i32
      %dma_wait3A_167 = tpu.memref_slice %arg2[%arg0, %dma_wait3A_165, %dma_wait3A_166] : memref<2x10000x64xf32, #tpu.memory_space<hbm>> -> memref<1x10000x64xf32, #tpu.memory_space<hbm>>
      %dma_wait3A_168 = tpu.memref_squeeze %dma_wait3A_167 : memref<1x10000x64xf32, #tpu.memory_space<hbm>> -> memref<10000x64xf32, #tpu.memory_space<hbm>>
      %dma_wait3A_169 = arith.constant 0 : i32
      %dma_wait3A_170 = arith.constant 0 : i32
      %dma_wait3A_171 = tpu.memref_slice %dma_wait3A_168[%dma_wait3A_169, %dma_wait3A_170] : memref<10000x64xf32, #tpu.memory_space<hbm>> -> memref<10000x64xf32, #tpu.memory_space<hbm>>
      tpu.wait_indirect_dma semaphore(%arg14 : memref<!tpu.dma_semaphore, #tpu.memory_space<semaphore_mem>>) src(%dma_wait3A_171 : memref<10000x64xf32, #tpu.memory_space<hbm>>) dst(%arg11 : memref<128x64xf32, #tpu.memory_space<vmem>>)
      %add3A_172 = arith.constant 2 : i32
      %add3A_173 = arith.addi %add3A_161, %add3A_172 : i32
      %dma_start3A_174 = arith.constant 0 : i32
      %dma_start3A_175 = tpu.memref_slice %arg9[%add3A_173, %dma_start3A_174] : memref<160x128xi32, #tpu.memory_space<vmem>> -> memref<1x128xi32, #tpu.memory_space<vmem>>
      %dma_start3A_176 = tpu.memref_squeeze %dma_start3A_175 : memref<1x128xi32, #tpu.memory_space<vmem>> -> memref<128xi32, #tpu.memory_space<vmem>>
      %dma_start3A_177 = arith.constant 0 : i32
      %dma_start3A_178 = arith.constant 0 : i32
      %dma_start3A_179 = tpu.memref_slice %arg2[%arg0, %dma_start3A_177, %dma_start3A_178] : memref<2x10000x64xf32, #tpu.memory_space<hbm>> -> memref<1x10000x64xf32, #tpu.memory_space<hbm>>
      %dma_start3A_180 = tpu.memref_squeeze %dma_start3A_179 : memref<1x10000x64xf32, #tpu.memory_space<hbm>> -> memref<10000x64xf32, #tpu.memory_space<hbm>>
      %dma_start3A_181 = arith.constant 0 : i32
      %dma_start3A_182 = arith.constant 0 : i32
      %dma_start3A_183 = tpu.memref_slice %dma_start3A_180[%dma_start3A_181, %dma_start3A_182] : memref<10000x64xf32, #tpu.memory_space<hbm>> -> memref<10000x64xf32, #tpu.memory_space<hbm>>
      tpu.enqueue_indirect_dma source(%dma_start3A_183 : memref<10000x64xf32, #tpu.memory_space<hbm>>) target(%arg11 : memref<128x64xf32, #tpu.memory_space<vmem>>) offsets(%dma_start3A_176 : memref<128xi32, #tpu.memory_space<vmem>>) semaphore(%arg14 : memref<!tpu.dma_semaphore, #tpu.memory_space<semaphore_mem>>)
      "tpu.region"() ({
        %run_scoped3A_210 = tpu.sem_alloc : memref<!tpu.dma_semaphore, #tpu.memory_space<semaphore_mem>>
        %dma_start3A_211 = arith.constant 0 : i32
        %dma_start3A_212 = tpu.memref_slice %arg10[%add3A_161, %dma_start3A_211] : memref<160x128xi32, #tpu.memory_space<vmem>> -> memref<1x128xi32, #tpu.memory_space<vmem>>
        %dma_start3A_213 = tpu.memref_squeeze %dma_start3A_212 : memref<1x128xi32, #tpu.memory_space<vmem>> -> memref<128xi32, #tpu.memory_space<vmem>>
        %dma_start3A_214 = arith.constant 0 : i32
        %dma_start3A_215 = arith.constant 0 : i32
        %dma_start3A_216 = tpu.memref_slice %arg13[%dma_start3A_214, %dma_start3A_215] : memref<10112x64xf32, #tpu.memory_space<vmem_shared>> -> memref<10112x64xf32, #tpu.memory_space<vmem_shared>>
        tpu.enqueue_indirect_dma source(%arg11 : memref<128x64xf32, #tpu.memory_space<vmem>>) target(%dma_start3A_216 : memref<10112x64xf32, #tpu.memory_space<vmem_shared>>) offsets(%dma_start3A_213 : memref<128xi32, #tpu.memory_space<vmem>>) semaphore(%run_scoped3A_210 : memref<!tpu.dma_semaphore, #tpu.memory_space<semaphore_mem>>) {add = true}
        %dma_wait3A_217 = arith.constant 0 : i32
        %dma_wait3A_218 = tpu.memref_slice %arg10[%add3A_161, %dma_wait3A_217] : memref<160x128xi32, #tpu.memory_space<vmem>> -> memref<1x128xi32, #tpu.memory_space<vmem>>
        %dma_wait3A_219 = tpu.memref_squeeze %dma_wait3A_218 : memref<1x128xi32, #tpu.memory_space<vmem>> -> memref<128xi32, #tpu.memory_space<vmem>>
        %dma_wait3A_220 = arith.constant 0 : i32
        %dma_wait3A_221 = arith.constant 0 : i32
        %dma_wait3A_222 = tpu.memref_slice %arg13[%dma_wait3A_220, %dma_wait3A_221] : memref<10112x64xf32, #tpu.memory_space<vmem_shared>> -> memref<10112x64xf32, #tpu.memory_space<vmem_shared>>
        tpu.wait_indirect_dma semaphore(%run_scoped3A_210 : memref<!tpu.dma_semaphore, #tpu.memory_space<semaphore_mem>>) src(%arg11 : memref<128x64xf32, #tpu.memory_space<vmem>>) dst(%dma_wait3A_222 : memref<10112x64xf32, #tpu.memory_space<vmem_shared>>)
        tpu.yield
      }) : () -> ()
      %mul3A_184 = arith.constant 2 : i32
      %mul3A_185 = arith.muli %scan3A_157, %mul3A_184 : i32
      %add3A_186 = arith.constant 1 : i32
      %add3A_187 = arith.addi %mul3A_185, %add3A_186 : i32
      %dma_wait3A_188 = arith.constant 0 : i32
      %dma_wait3A_189 = tpu.memref_slice %arg9[%add3A_187, %dma_wait3A_188] : memref<160x128xi32, #tpu.memory_space<vmem>> -> memref<1x128xi32, #tpu.memory_space<vmem>>
      %dma_wait3A_190 = tpu.memref_squeeze %dma_wait3A_189 : memref<1x128xi32, #tpu.memory_space<vmem>> -> memref<128xi32, #tpu.memory_space<vmem>>
      %dma_wait3A_191 = arith.constant 0 : i32
      %dma_wait3A_192 = arith.constant 0 : i32
      %dma_wait3A_193 = tpu.memref_slice %arg2[%arg0, %dma_wait3A_191, %dma_wait3A_192] : memref<2x10000x64xf32, #tpu.memory_space<hbm>> -> memref<1x10000x64xf32, #tpu.memory_space<hbm>>
      %dma_wait3A_194 = tpu.memref_squeeze %dma_wait3A_193 : memref<1x10000x64xf32, #tpu.memory_space<hbm>> -> memref<10000x64xf32, #tpu.memory_space<hbm>>
      %dma_wait3A_195 = arith.constant 0 : i32
      %dma_wait3A_196 = arith.constant 0 : i32
      %dma_wait3A_197 = tpu.memref_slice %dma_wait3A_194[%dma_wait3A_195, %dma_wait3A_196] : memref<10000x64xf32, #tpu.memory_space<hbm>> -> memref<10000x64xf32, #tpu.memory_space<hbm>>
      tpu.wait_indirect_dma semaphore(%arg15 : memref<!tpu.dma_semaphore, #tpu.memory_space<semaphore_mem>>) src(%dma_wait3A_197 : memref<10000x64xf32, #tpu.memory_space<hbm>>) dst(%arg12 : memref<128x64xf32, #tpu.memory_space<vmem>>)
      %add3A_198 = arith.constant 2 : i32
      %add3A_199 = arith.addi %add3A_187, %add3A_198 : i32
      %dma_start3A_200 = arith.constant 0 : i32
      %dma_start3A_201 = tpu.memref_slice %arg9[%add3A_199, %dma_start3A_200] : memref<160x128xi32, #tpu.memory_space<vmem>> -> memref<1x128xi32, #tpu.memory_space<vmem>>
      %dma_start3A_202 = tpu.memref_squeeze %dma_start3A_201 : memref<1x128xi32, #tpu.memory_space<vmem>> -> memref<128xi32, #tpu.memory_space<vmem>>
      %dma_start3A_203 = arith.constant 0 : i32
      %dma_start3A_204 = arith.constant 0 : i32
      %dma_start3A_205 = tpu.memref_slice %arg2[%arg0, %dma_start3A_203, %dma_start3A_204] : memref<2x10000x64xf32, #tpu.memory_space<hbm>> -> memref<1x10000x64xf32, #tpu.memory_space<hbm>>
      %dma_start3A_206 = tpu.memref_squeeze %dma_start3A_205 : memref<1x10000x64xf32, #tpu.memory_space<hbm>> -> memref<10000x64xf32, #tpu.memory_space<hbm>>
      %dma_start3A_207 = arith.constant 0 : i32
      %dma_start3A_208 = arith.constant 0 : i32
      %dma_start3A_209 = tpu.memref_slice %dma_start3A_206[%dma_start3A_207, %dma_start3A_208] : memref<10000x64xf32, #tpu.memory_space<hbm>> -> memref<10000x64xf32, #tpu.memory_space<hbm>>
      tpu.enqueue_indirect_dma source(%dma_start3A_209 : memref<10000x64xf32, #tpu.memory_space<hbm>>) target(%arg12 : memref<128x64xf32, #tpu.memory_space<vmem>>) offsets(%dma_start3A_202 : memref<128xi32, #tpu.memory_space<vmem>>) semaphore(%arg15 : memref<!tpu.dma_semaphore, #tpu.memory_space<semaphore_mem>>)
      "tpu.region"() ({
        %run_scoped3A_210 = tpu.sem_alloc : memref<!tpu.dma_semaphore, #tpu.memory_space<semaphore_mem>>
        %dma_start3A_211 = arith.constant 0 : i32
        %dma_start3A_212 = tpu.memref_slice %arg10[%add3A_187, %dma_start3A_211] : memref<160x128xi32, #tpu.memory_space<vmem>> -> memref<1x128xi32, #tpu.memory_space<vmem>>
        %dma_start3A_213 = tpu.memref_squeeze %dma_start3A_212 : memref<1x128xi32, #tpu.memory_space<vmem>> -> memref<128xi32, #tpu.memory_space<vmem>>
        %dma_start3A_214 = arith.constant 0 : i32
        %dma_start3A_215 = arith.constant 0 : i32
        %dma_start3A_216 = tpu.memref_slice %arg13[%dma_start3A_214, %dma_start3A_215] : memref<10112x64xf32, #tpu.memory_space<vmem_shared>> -> memref<10112x64xf32, #tpu.memory_space<vmem_shared>>
        tpu.enqueue_indirect_dma source(%arg12 : memref<128x64xf32, #tpu.memory_space<vmem>>) target(%dma_start3A_216 : memref<10112x64xf32, #tpu.memory_space<vmem_shared>>) offsets(%dma_start3A_213 : memref<128xi32, #tpu.memory_space<vmem>>) semaphore(%run_scoped3A_210 : memref<!tpu.dma_semaphore, #tpu.memory_space<semaphore_mem>>) {add = true}
        %dma_wait3A_217 = arith.constant 0 : i32
        %dma_wait3A_218 = tpu.memref_slice %arg10[%add3A_187, %dma_wait3A_217] : memref<160x128xi32, #tpu.memory_space<vmem>> -> memref<1x128xi32, #tpu.memory_space<vmem>>
        %dma_wait3A_219 = tpu.memref_squeeze %dma_wait3A_218 : memref<1x128xi32, #tpu.memory_space<vmem>> -> memref<128xi32, #tpu.memory_space<vmem>>
        %dma_wait3A_220 = arith.constant 0 : i32
        %dma_wait3A_221 = arith.constant 0 : i32
        %dma_wait3A_222 = tpu.memref_slice %arg13[%dma_wait3A_220, %dma_wait3A_221] : memref<10112x64xf32, #tpu.memory_space<vmem_shared>> -> memref<10112x64xf32, #tpu.memory_space<vmem_shared>>
        tpu.wait_indirect_dma semaphore(%run_scoped3A_210 : memref<!tpu.dma_semaphore, #tpu.memory_space<semaphore_mem>>) src(%arg12 : memref<128x64xf32, #tpu.memory_space<vmem>>) dst(%dma_wait3A_222 : memref<10112x64xf32, #tpu.memory_space<vmem_shared>>)
        tpu.yield
      }) : () -> ()
    }
    %scan3A_26 = arith.constant 78 : i32
    %scan3A_27 = arith.addi %scan3A_22, %scan3A_26 : i32
    %mul3A_28 = arith.constant 2 : i32
    %mul3A_29 = arith.muli %scan3A_27, %mul3A_28 : i32
    %add3A = arith.constant 0 : i32
    %add3A_30 = arith.addi %mul3A_29, %add3A : i32
    %dma_wait3A = arith.constant 0 : i32
    %dma_wait3A_31 = tpu.memref_slice %arg9[%add3A_30, %dma_wait3A] : memref<160x128xi32, #tpu.memory_space<vmem>> -> memref<1x128xi32, #tpu.memory_space<vmem>>
    %dma_wait3A_32 = tpu.memref_squeeze %dma_wait3A_31 : memref<1x128xi32, #tpu.memory_space<vmem>> -> memref<128xi32, #tpu.memory_space<vmem>>
    %dma_wait3A_33 = arith.constant 0 : i32
    %dma_wait3A_34 = arith.constant 0 : i32
    %dma_wait3A_35 = tpu.memref_slice %arg2[%arg0, %dma_wait3A_33, %dma_wait3A_34] : memref<2x10000x64xf32, #tpu.memory_space<hbm>> -> memref<1x10000x64xf32, #tpu.memory_space<hbm>>
    %dma_wait3A_36 = tpu.memref_squeeze %dma_wait3A_35 : memref<1x10000x64xf32, #tpu.memory_space<hbm>> -> memref<10000x64xf32, #tpu.memory_space<hbm>>
    %dma_wait3A_37 = arith.constant 0 : i32
    %dma_wait3A_38 = arith.constant 0 : i32
    %dma_wait3A_39 = tpu.memref_slice %dma_wait3A_36[%dma_wait3A_37, %dma_wait3A_38] : memref<10000x64xf32, #tpu.memory_space<hbm>> -> memref<10000x64xf32, #tpu.memory_space<hbm>>
    tpu.wait_indirect_dma semaphore(%arg14 : memref<!tpu.dma_semaphore, #tpu.memory_space<semaphore_mem>>) src(%dma_wait3A_39 : memref<10000x64xf32, #tpu.memory_space<hbm>>) dst(%arg11 : memref<128x64xf32, #tpu.memory_space<vmem>>)
    %add3A_40 = arith.constant 2 : i32
    %add3A_41 = arith.addi %add3A_30, %add3A_40 : i32
    %dma_start3A_42 = arith.constant 0 : i32
    %dma_start3A_43 = tpu.memref_slice %arg9[%add3A_41, %dma_start3A_42] : memref<160x128xi32, #tpu.memory_space<vmem>> -> memref<1x128xi32, #tpu.memory_space<vmem>>
    %dma_start3A_44 = tpu.memref_squeeze %dma_start3A_43 : memref<1x128xi32, #tpu.memory_space<vmem>> -> memref<128xi32, #tpu.memory_space<vmem>>
    %dma_start3A_45 = arith.constant 0 : i32
    %dma_start3A_46 = arith.constant 0 : i32
    %dma_start3A_47 = tpu.memref_slice %arg2[%arg0, %dma_start3A_45, %dma_start3A_46] : memref<2x10000x64xf32, #tpu.memory_space<hbm>> -> memref<1x10000x64xf32, #tpu.memory_space<hbm>>
    %dma_start3A_48 = tpu.memref_squeeze %dma_start3A_47 : memref<1x10000x64xf32, #tpu.memory_space<hbm>> -> memref<10000x64xf32, #tpu.memory_space<hbm>>
    %dma_start3A_49 = arith.constant 0 : i32
    %dma_start3A_50 = arith.constant 0 : i32
    %dma_start3A_51 = tpu.memref_slice %dma_start3A_48[%dma_start3A_49, %dma_start3A_50] : memref<10000x64xf32, #tpu.memory_space<hbm>> -> memref<10000x64xf32, #tpu.memory_space<hbm>>
    tpu.enqueue_indirect_dma source(%dma_start3A_51 : memref<10000x64xf32, #tpu.memory_space<hbm>>) target(%arg11 : memref<128x64xf32, #tpu.memory_space<vmem>>) offsets(%dma_start3A_44 : memref<128xi32, #tpu.memory_space<vmem>>) semaphore(%arg14 : memref<!tpu.dma_semaphore, #tpu.memory_space<semaphore_mem>>)
    "tpu.region"() ({
      %run_scoped3A_103 = tpu.sem_alloc : memref<!tpu.dma_semaphore, #tpu.memory_space<semaphore_mem>>
      %dma_start3A_104 = arith.constant 0 : i32
      %dma_start3A_105 = tpu.memref_slice %arg10[%add3A_30, %dma_start3A_104] : memref<160x128xi32, #tpu.memory_space<vmem>> -> memref<1x128xi32, #tpu.memory_space<vmem>>
      %dma_start3A_106 = tpu.memref_squeeze %dma_start3A_105 : memref<1x128xi32, #tpu.memory_space<vmem>> -> memref<128xi32, #tpu.memory_space<vmem>>
      %dma_start3A_107 = arith.constant 0 : i32
      %dma_start3A_108 = arith.constant 0 : i32
      %dma_start3A_109 = tpu.memref_slice %arg13[%dma_start3A_107, %dma_start3A_108] : memref<10112x64xf32, #tpu.memory_space<vmem_shared>> -> memref<10112x64xf32, #tpu.memory_space<vmem_shared>>
      tpu.enqueue_indirect_dma source(%arg11 : memref<128x64xf32, #tpu.memory_space<vmem>>) target(%dma_start3A_109 : memref<10112x64xf32, #tpu.memory_space<vmem_shared>>) offsets(%dma_start3A_106 : memref<128xi32, #tpu.memory_space<vmem>>) semaphore(%run_scoped3A_103 : memref<!tpu.dma_semaphore, #tpu.memory_space<semaphore_mem>>) {add = true}
      %dma_wait3A_110 = arith.constant 0 : i32
      %dma_wait3A_111 = tpu.memref_slice %arg10[%add3A_30, %dma_wait3A_110] : memref<160x128xi32, #tpu.memory_space<vmem>> -> memref<1x128xi32, #tpu.memory_space<vmem>>
      %dma_wait3A_112 = tpu.memref_squeeze %dma_wait3A_111 : memref<1x128xi32, #tpu.memory_space<vmem>> -> memref<128xi32, #tpu.memory_space<vmem>>
      %dma_wait3A_113 = arith.constant 0 : i32
      %dma_wait3A_114 = arith.constant 0 : i32
      %dma_wait3A_115 = tpu.memref_slice %arg13[%dma_wait3A_113, %dma_wait3A_114] : memref<10112x64xf32, #tpu.memory_space<vmem_shared>> -> memref<10112x64xf32, #tpu.memory_space<vmem_shared>>
      tpu.wait_indirect_dma semaphore(%run_scoped3A_103 : memref<!tpu.dma_semaphore, #tpu.memory_space<semaphore_mem>>) src(%arg11 : memref<128x64xf32, #tpu.memory_space<vmem>>) dst(%dma_wait3A_115 : memref<10112x64xf32, #tpu.memory_space<vmem_shared>>)
      tpu.yield
    }) : () -> ()
    %mul3A_52 = arith.constant 2 : i32
    %mul3A_53 = arith.muli %scan3A_27, %mul3A_52 : i32
    %add3A_54 = arith.constant 1 : i32
    %add3A_55 = arith.addi %mul3A_53, %add3A_54 : i32
    %dma_wait3A_56 = arith.constant 0 : i32
    %dma_wait3A_57 = tpu.memref_slice %arg9[%add3A_55, %dma_wait3A_56] : memref<160x128xi32, #tpu.memory_space<vmem>> -> memref<1x128xi32, #tpu.memory_space<vmem>>
    %dma_wait3A_58 = tpu.memref_squeeze %dma_wait3A_57 : memref<1x128xi32, #tpu.memory_space<vmem>> -> memref<128xi32, #tpu.memory_space<vmem>>
    %dma_wait3A_59 = arith.constant 0 : i32
    %dma_wait3A_60 = arith.constant 0 : i32
    %dma_wait3A_61 = tpu.memref_slice %arg2[%arg0, %dma_wait3A_59, %dma_wait3A_60] : memref<2x10000x64xf32, #tpu.memory_space<hbm>> -> memref<1x10000x64xf32, #tpu.memory_space<hbm>>
    %dma_wait3A_62 = tpu.memref_squeeze %dma_wait3A_61 : memref<1x10000x64xf32, #tpu.memory_space<hbm>> -> memref<10000x64xf32, #tpu.memory_space<hbm>>
    %dma_wait3A_63 = arith.constant 0 : i32
    %dma_wait3A_64 = arith.constant 0 : i32
    %dma_wait3A_65 = tpu.memref_slice %dma_wait3A_62[%dma_wait3A_63, %dma_wait3A_64] : memref<10000x64xf32, #tpu.memory_space<hbm>> -> memref<10000x64xf32, #tpu.memory_space<hbm>>
    tpu.wait_indirect_dma semaphore(%arg15 : memref<!tpu.dma_semaphore, #tpu.memory_space<semaphore_mem>>) src(%dma_wait3A_65 : memref<10000x64xf32, #tpu.memory_space<hbm>>) dst(%arg12 : memref<128x64xf32, #tpu.memory_space<vmem>>)
    %add3A_66 = arith.constant 2 : i32
    %add3A_67 = arith.addi %add3A_55, %add3A_66 : i32
    %dma_start3A_68 = arith.constant 0 : i32
    %dma_start3A_69 = tpu.memref_slice %arg9[%add3A_67, %dma_start3A_68] : memref<160x128xi32, #tpu.memory_space<vmem>> -> memref<1x128xi32, #tpu.memory_space<vmem>>
    %dma_start3A_70 = tpu.memref_squeeze %dma_start3A_69 : memref<1x128xi32, #tpu.memory_space<vmem>> -> memref<128xi32, #tpu.memory_space<vmem>>
    %dma_start3A_71 = arith.constant 0 : i32
    %dma_start3A_72 = arith.constant 0 : i32
    %dma_start3A_73 = tpu.memref_slice %arg2[%arg0, %dma_start3A_71, %dma_start3A_72] : memref<2x10000x64xf32, #tpu.memory_space<hbm>> -> memref<1x10000x64xf32, #tpu.memory_space<hbm>>
    %dma_start3A_74 = tpu.memref_squeeze %dma_start3A_73 : memref<1x10000x64xf32, #tpu.memory_space<hbm>> -> memref<10000x64xf32, #tpu.memory_space<hbm>>
    %dma_start3A_75 = arith.constant 0 : i32
    %dma_start3A_76 = arith.constant 0 : i32
    %dma_start3A_77 = tpu.memref_slice %dma_start3A_74[%dma_start3A_75, %dma_start3A_76] : memref<10000x64xf32, #tpu.memory_space<hbm>> -> memref<10000x64xf32, #tpu.memory_space<hbm>>
    tpu.enqueue_indirect_dma source(%dma_start3A_77 : memref<10000x64xf32, #tpu.memory_space<hbm>>) target(%arg12 : memref<128x64xf32, #tpu.memory_space<vmem>>) offsets(%dma_start3A_70 : memref<128xi32, #tpu.memory_space<vmem>>) semaphore(%arg15 : memref<!tpu.dma_semaphore, #tpu.memory_space<semaphore_mem>>)
    "tpu.region"() ({
      %run_scoped3A_103 = tpu.sem_alloc : memref<!tpu.dma_semaphore, #tpu.memory_space<semaphore_mem>>
      %dma_start3A_104 = arith.constant 0 : i32
      %dma_start3A_105 = tpu.memref_slice %arg10[%add3A_55, %dma_start3A_104] : memref<160x128xi32, #tpu.memory_space<vmem>> -> memref<1x128xi32, #tpu.memory_space<vmem>>
      %dma_start3A_106 = tpu.memref_squeeze %dma_start3A_105 : memref<1x128xi32, #tpu.memory_space<vmem>> -> memref<128xi32, #tpu.memory_space<vmem>>
      %dma_start3A_107 = arith.constant 0 : i32
      %dma_start3A_108 = arith.constant 0 : i32
      %dma_start3A_109 = tpu.memref_slice %arg13[%dma_start3A_107, %dma_start3A_108] : memref<10112x64xf32, #tpu.memory_space<vmem_shared>> -> memref<10112x64xf32, #tpu.memory_space<vmem_shared>>
      tpu.enqueue_indirect_dma source(%arg12 : memref<128x64xf32, #tpu.memory_space<vmem>>) target(%dma_start3A_109 : memref<10112x64xf32, #tpu.memory_space<vmem_shared>>) offsets(%dma_start3A_106 : memref<128xi32, #tpu.memory_space<vmem>>) semaphore(%run_scoped3A_103 : memref<!tpu.dma_semaphore, #tpu.memory_space<semaphore_mem>>) {add = true}
      %dma_wait3A_110 = arith.constant 0 : i32
      %dma_wait3A_111 = tpu.memref_slice %arg10[%add3A_55, %dma_wait3A_110] : memref<160x128xi32, #tpu.memory_space<vmem>> -> memref<1x128xi32, #tpu.memory_space<vmem>>
      %dma_wait3A_112 = tpu.memref_squeeze %dma_wait3A_111 : memref<1x128xi32, #tpu.memory_space<vmem>> -> memref<128xi32, #tpu.memory_space<vmem>>
      %dma_wait3A_113 = arith.constant 0 : i32
      %dma_wait3A_114 = arith.constant 0 : i32
      %dma_wait3A_115 = tpu.memref_slice %arg13[%dma_wait3A_113, %dma_wait3A_114] : memref<10112x64xf32, #tpu.memory_space<vmem_shared>> -> memref<10112x64xf32, #tpu.memory_space<vmem_shared>>
      tpu.wait_indirect_dma semaphore(%run_scoped3A_103 : memref<!tpu.dma_semaphore, #tpu.memory_space<semaphore_mem>>) src(%arg12 : memref<128x64xf32, #tpu.memory_space<vmem>>) dst(%dma_wait3A_115 : memref<10112x64xf32, #tpu.memory_space<vmem_shared>>)
      tpu.yield
    }) : () -> ()
    %scan3A_78 = arith.constant 79 : i32
    %dma_wait3A_79 = arith.constant 158 : i32
    %dma_wait3A_80 = arith.constant 0 : i32
    %dma_wait3A_81 = tpu.memref_slice %arg9[%dma_wait3A_79, %dma_wait3A_80] : memref<160x128xi32, #tpu.memory_space<vmem>> -> memref<1x128xi32, #tpu.memory_space<vmem>>
    %dma_wait3A_82 = tpu.memref_squeeze %dma_wait3A_81 : memref<1x128xi32, #tpu.memory_space<vmem>> -> memref<128xi32, #tpu.memory_space<vmem>>
    %dma_wait3A_83 = arith.constant 0 : i32
    %dma_wait3A_84 = arith.constant 0 : i32
    %dma_wait3A_85 = tpu.memref_slice %arg2[%arg0, %dma_wait3A_83, %dma_wait3A_84] : memref<2x10000x64xf32, #tpu.memory_space<hbm>> -> memref<1x10000x64xf32, #tpu.memory_space<hbm>>
    %dma_wait3A_86 = tpu.memref_squeeze %dma_wait3A_85 : memref<1x10000x64xf32, #tpu.memory_space<hbm>> -> memref<10000x64xf32, #tpu.memory_space<hbm>>
    %dma_wait3A_87 = arith.constant 0 : i32
    %dma_wait3A_88 = arith.constant 0 : i32
    %dma_wait3A_89 = tpu.memref_slice %dma_wait3A_86[%dma_wait3A_87, %dma_wait3A_88] : memref<10000x64xf32, #tpu.memory_space<hbm>> -> memref<10000x64xf32, #tpu.memory_space<hbm>>
    tpu.wait_indirect_dma semaphore(%arg14 : memref<!tpu.dma_semaphore, #tpu.memory_space<semaphore_mem>>) src(%dma_wait3A_89 : memref<10000x64xf32, #tpu.memory_space<hbm>>) dst(%arg11 : memref<128x64xf32, #tpu.memory_space<vmem>>)
    %run_scoped3A = arith.constant 158 : i32
    "tpu.region"() ({
      %run_scoped3A_103 = tpu.sem_alloc : memref<!tpu.dma_semaphore, #tpu.memory_space<semaphore_mem>>
      %dma_start3A_104 = arith.constant 0 : i32
      %dma_start3A_105 = tpu.memref_slice %arg10[%run_scoped3A, %dma_start3A_104] : memref<160x128xi32, #tpu.memory_space<vmem>> -> memref<1x128xi32, #tpu.memory_space<vmem>>
      %dma_start3A_106 = tpu.memref_squeeze %dma_start3A_105 : memref<1x128xi32, #tpu.memory_space<vmem>> -> memref<128xi32, #tpu.memory_space<vmem>>
      %dma_start3A_107 = arith.constant 0 : i32
      %dma_start3A_108 = arith.constant 0 : i32
      %dma_start3A_109 = tpu.memref_slice %arg13[%dma_start3A_107, %dma_start3A_108] : memref<10112x64xf32, #tpu.memory_space<vmem_shared>> -> memref<10112x64xf32, #tpu.memory_space<vmem_shared>>
      tpu.enqueue_indirect_dma source(%arg11 : memref<128x64xf32, #tpu.memory_space<vmem>>) target(%dma_start3A_109 : memref<10112x64xf32, #tpu.memory_space<vmem_shared>>) offsets(%dma_start3A_106 : memref<128xi32, #tpu.memory_space<vmem>>) semaphore(%run_scoped3A_103 : memref<!tpu.dma_semaphore, #tpu.memory_space<semaphore_mem>>) {add = true}
      %dma_wait3A_110 = arith.constant 0 : i32
      %dma_wait3A_111 = tpu.memref_slice %arg10[%run_scoped3A, %dma_wait3A_110] : memref<160x128xi32, #tpu.memory_space<vmem>> -> memref<1x128xi32, #tpu.memory_space<vmem>>
      %dma_wait3A_112 = tpu.memref_squeeze %dma_wait3A_111 : memref<1x128xi32, #tpu.memory_space<vmem>> -> memref<128xi32, #tpu.memory_space<vmem>>
      %dma_wait3A_113 = arith.constant 0 : i32
      %dma_wait3A_114 = arith.constant 0 : i32
      %dma_wait3A_115 = tpu.memref_slice %arg13[%dma_wait3A_113, %dma_wait3A_114] : memref<10112x64xf32, #tpu.memory_space<vmem_shared>> -> memref<10112x64xf32, #tpu.memory_space<vmem_shared>>
      tpu.wait_indirect_dma semaphore(%run_scoped3A_103 : memref<!tpu.dma_semaphore, #tpu.memory_space<semaphore_mem>>) src(%arg11 : memref<128x64xf32, #tpu.memory_space<vmem>>) dst(%dma_wait3A_115 : memref<10112x64xf32, #tpu.memory_space<vmem_shared>>)
      tpu.yield
    }) : () -> ()
    %dma_wait3A_90 = arith.constant 159 : i32
    %dma_wait3A_91 = arith.constant 0 : i32
    %dma_wait3A_92 = tpu.memref_slice %arg9[%dma_wait3A_90, %dma_wait3A_91] : memref<160x128xi32, #tpu.memory_space<vmem>> -> memref<1x128xi32, #tpu.memory_space<vmem>>
    %dma_wait3A_93 = tpu.memref_squeeze %dma_wait3A_92 : memref<1x128xi32, #tpu.memory_space<vmem>> -> memref<128xi32, #tpu.memory_space<vmem>>
    %dma_wait3A_94 = arith.constant 0 : i32
    %dma_wait3A_95 = arith.constant 0 : i32
    %dma_wait3A_96 = tpu.memref_slice %arg2[%arg0, %dma_wait3A_94, %dma_wait3A_95] : memref<2x10000x64xf32, #tpu.memory_space<hbm>> -> memref<1x10000x64xf32, #tpu.memory_space<hbm>>
    %dma_wait3A_97 = tpu.memref_squeeze %dma_wait3A_96 : memref<1x10000x64xf32, #tpu.memory_space<hbm>> -> memref<10000x64xf32, #tpu.memory_space<hbm>>
    %dma_wait3A_98 = arith.constant 0 : i32
    %dma_wait3A_99 = arith.constant 0 : i32
    %dma_wait3A_100 = tpu.memref_slice %dma_wait3A_97[%dma_wait3A_98, %dma_wait3A_99] : memref<10000x64xf32, #tpu.memory_space<hbm>> -> memref<10000x64xf32, #tpu.memory_space<hbm>>
    tpu.wait_indirect_dma semaphore(%arg15 : memref<!tpu.dma_semaphore, #tpu.memory_space<semaphore_mem>>) src(%dma_wait3A_100 : memref<10000x64xf32, #tpu.memory_space<hbm>>) dst(%arg12 : memref<128x64xf32, #tpu.memory_space<vmem>>)
    %run_scoped3A_101 = arith.constant 159 : i32
    "tpu.region"() ({
      %run_scoped3A_103 = tpu.sem_alloc : memref<!tpu.dma_semaphore, #tpu.memory_space<semaphore_mem>>
      %dma_start3A_104 = arith.constant 0 : i32
      %dma_start3A_105 = tpu.memref_slice %arg10[%run_scoped3A_101, %dma_start3A_104] : memref<160x128xi32, #tpu.memory_space<vmem>> -> memref<1x128xi32, #tpu.memory_space<vmem>>
      %dma_start3A_106 = tpu.memref_squeeze %dma_start3A_105 : memref<1x128xi32, #tpu.memory_space<vmem>> -> memref<128xi32, #tpu.memory_space<vmem>>
      %dma_start3A_107 = arith.constant 0 : i32
      %dma_start3A_108 = arith.constant 0 : i32
      %dma_start3A_109 = tpu.memref_slice %arg13[%dma_start3A_107, %dma_start3A_108] : memref<10112x64xf32, #tpu.memory_space<vmem_shared>> -> memref<10112x64xf32, #tpu.memory_space<vmem_shared>>
      tpu.enqueue_indirect_dma source(%arg12 : memref<128x64xf32, #tpu.memory_space<vmem>>) target(%dma_start3A_109 : memref<10112x64xf32, #tpu.memory_space<vmem_shared>>) offsets(%dma_start3A_106 : memref<128xi32, #tpu.memory_space<vmem>>) semaphore(%run_scoped3A_103 : memref<!tpu.dma_semaphore, #tpu.memory_space<semaphore_mem>>) {add = true}
      %dma_wait3A_110 = arith.constant 0 : i32
      %dma_wait3A_111 = tpu.memref_slice %arg10[%run_scoped3A_101, %dma_wait3A_110] : memref<160x128xi32, #tpu.memory_space<vmem>> -> memref<1x128xi32, #tpu.memory_space<vmem>>
      %dma_wait3A_112 = tpu.memref_squeeze %dma_wait3A_111 : memref<1x128xi32, #tpu.memory_space<vmem>> -> memref<128xi32, #tpu.memory_space<vmem>>
      %dma_wait3A_113 = arith.constant 0 : i32
      %dma_wait3A_114 = arith.constant 0 : i32
      %dma_wait3A_115 = tpu.memref_slice %arg13[%dma_wait3A_113, %dma_wait3A_114] : memref<10112x64xf32, #tpu.memory_space<vmem_shared>> -> memref<10112x64xf32, #tpu.memory_space<vmem_shared>>
      tpu.wait_indirect_dma semaphore(%run_scoped3A_103 : memref<!tpu.dma_semaphore, #tpu.memory_space<semaphore_mem>>) src(%arg12 : memref<128x64xf32, #tpu.memory_space<vmem>>) dst(%dma_wait3A_115 : memref<10112x64xf32, #tpu.memory_space<vmem_shared>>)
      tpu.yield
    }) : () -> ()
    %barrier3A_102 = arith.constant 0 : index
    tpu.barrier barrier_id(%barrier3A_102)
    "tpu.region"() ({
      %run_scoped3A_103 = tpu.sem_alloc : memref<!tpu.dma_semaphore, #tpu.memory_space<semaphore_mem>>
      %dma_start3A_104 = arith.constant 0 : i32
      %dma_start3A_105 = tpu.memref_slice %arg8[%arg0, %multiple_of3A, %dma_start3A_104] : memref<2x10112x64xf32, #tpu.memory_space<hbm>> -> memref<1x632x64xf32, #tpu.memory_space<hbm>>
      %dma_start3A_106 = tpu.memref_squeeze %dma_start3A_105 : memref<1x632x64xf32, #tpu.memory_space<hbm>> -> memref<632x64xf32, #tpu.memory_space<hbm>>
      %dma_start3A_107 = arith.constant 0 : i32
      %dma_start3A_108 = tpu.memref_slice %arg13[%multiple_of3A, %dma_start3A_107] : memref<10112x64xf32, #tpu.memory_space<vmem_shared>> -> memref<632x64xf32, #tpu.memory_space<vmem_shared>>
      tpu.enqueue_dma source(%dma_start3A_108 : memref<632x64xf32, #tpu.memory_space<vmem_shared>>) target(%dma_start3A_106 : memref<632x64xf32, #tpu.memory_space<hbm>>) target_semaphore(%run_scoped3A_103 : memref<!tpu.dma_semaphore, #tpu.memory_space<semaphore_mem>>)
      %dma_wait3A_109 = arith.constant 0 : i32
      %dma_wait3A_110 = tpu.memref_slice %arg8[%arg0, %multiple_of3A, %dma_wait3A_109] : memref<2x10112x64xf32, #tpu.memory_space<hbm>> -> memref<1x632x64xf32, #tpu.memory_space<hbm>>
      %dma_wait3A_111 = tpu.memref_squeeze %dma_wait3A_110 : memref<1x632x64xf32, #tpu.memory_space<hbm>> -> memref<632x64xf32, #tpu.memory_space<hbm>>
      %dma_wait3A_112 = arith.constant 0 : i32
      %dma_wait3A_113 = tpu.memref_slice %arg13[%multiple_of3A, %dma_wait3A_112] : memref<10112x64xf32, #tpu.memory_space<vmem_shared>> -> memref<632x64xf32, #tpu.memory_space<vmem_shared>>
      tpu.wait_dma2 semaphore(%run_scoped3A_103 : memref<!tpu.dma_semaphore, #tpu.memory_space<semaphore_mem>>) src(%dma_wait3A_113 : memref<632x64xf32, #tpu.memory_space<vmem_shared>>) dst(%dma_wait3A_111 : memref<632x64xf32, #tpu.memory_space<hbm>>)
      tpu.yield
    }) : () -> ()
    return
  }
}

module attributes {stable_mosaic.version = 14 : i64} {
  func.func @_tc_combine_body(%arg0: memref<2x10112x64xf32, #tpu.memory_space<vmem>>, %arg1: memref<2x10112x8xf32, #tpu.memory_space<vmem>>, %arg2: memref<128x128xf32, #tpu.memory_space<vmem>>, %arg3: memref<1x128xf32, #tpu.memory_space<vmem>>, %arg4: memref<2x10000x64xf32, #tpu.memory_space<vmem>>) attributes {dimension_semantics = [], scalar_prefetch = 0 : i64, scratch_operands = 0 : i64, tpu.core_type = #tpu.core_type<tc>} {
    %get3A = arith.constant 0 : index
    %get3A_0 = arith.constant 0 : index
    %get3A_1 = arith.constant 0 : index
    %get3A_2 = vector.load %arg1[%get3A, %get3A_0, %get3A_1] : memref<2x10112x8xf32, #tpu.memory_space<vmem>>, vector<1x10000x1xf32>
    %get3A_3 = vector.shape_cast %get3A_2 : vector<1x10000x1xf32> to vector<10000x1xf32>
    %max3A = arith.constant 1.000000e+00 : f32
    %max3A_4 = vector.broadcast %max3A : f32 to vector<10000x1xf32>
    %max3A_5 = arith.maximumf %get3A_3, %max3A_4 : vector<10000x1xf32>
    %get3A_6 = arith.constant 0 : index
    %get3A_7 = arith.constant 0 : index
    %get3A_8 = arith.constant 0 : index
    %get3A_9 = vector.load %arg0[%get3A_6, %get3A_7, %get3A_8] : memref<2x10112x64xf32, #tpu.memory_space<vmem>>, vector<1x10000x64xf32>
    %get3A_10 = vector.shape_cast %get3A_9 : vector<1x10000x64xf32> to vector<10000x64xf32>
    %get3A_11 = arith.constant 0 : index
    %get3A_12 = arith.constant 0 : index
    %get3A_13 = vector.load %arg2[%get3A_11, %get3A_12] : memref<128x128xf32, #tpu.memory_space<vmem>>, vector<64x128xf32>
    %dot_general3A = arith.constant dense<0.000000e+00> : vector<10000x128xf32>
    %dot_general3A_14 = tpu.matmul %get3A_10, %get3A_13, %dot_general3A {dimension_numbers = #tpu.dot_dimension_numbers<[1], [0], [0], [1], [0, 0, 1, 1], [], []>, transpose_lhs_hint = false} : vector<10000x64xf32>, vector<64x128xf32>, vector<10000x128xf32> -> vector<10000x128xf32>
    %get3A_15 = arith.constant 1 : index
    %get3A_16 = arith.constant 0 : index
    %get3A_17 = arith.constant 0 : index
    %get3A_18 = vector.load %arg0[%get3A_15, %get3A_16, %get3A_17] : memref<2x10112x64xf32, #tpu.memory_space<vmem>>, vector<1x10000x64xf32>
    %get3A_19 = vector.shape_cast %get3A_18 : vector<1x10000x64xf32> to vector<10000x64xf32>
    %get3A_20 = arith.constant 64 : index
    %get3A_21 = arith.constant 0 : index
    %get3A_22 = vector.load %arg2[%get3A_20, %get3A_21] : memref<128x128xf32, #tpu.memory_space<vmem>>, vector<64x128xf32>
    %dot_general3A_23 = arith.constant dense<0.000000e+00> : vector<10000x128xf32>
    %dot_general3A_24 = tpu.matmul %get3A_19, %get3A_22, %dot_general3A_23 {dimension_numbers = #tpu.dot_dimension_numbers<[1], [0], [0], [1], [0, 0, 1, 1], [], []>, transpose_lhs_hint = false} : vector<10000x64xf32>, vector<64x128xf32>, vector<10000x128xf32> -> vector<10000x128xf32>
    %add3A = arith.addf %dot_general3A_14, %dot_general3A_24 : vector<10000x128xf32>
    %div3A = vector.broadcast %max3A_5 : vector<10000x1xf32> to vector<10000x128xf32>
    %div3A_25 = arith.divf %add3A, %div3A : vector<10000x128xf32>
    %get3A_26 = arith.constant 0 : index
    %get3A_27 = arith.constant 0 : index
    %get3A_28 = vector.load %arg3[%get3A_26, %get3A_27] : memref<1x128xf32, #tpu.memory_space<vmem>>, vector<1x128xf32>
    %add3A_29 = vector.broadcast %get3A_28 : vector<1x128xf32> to vector<10000x128xf32>
    %add3A_30 = arith.addf %div3A_25, %add3A_29 : vector<10000x128xf32>
    %max3A_31 = arith.constant 0.000000e+00 : f32
    %max3A_32 = vector.broadcast %max3A_31 : f32 to vector<10000x128xf32>
    %max3A_33 = arith.maximumf %add3A_30, %max3A_32 : vector<10000x128xf32>
    %slice3A = vector.extract_strided_slice %max3A_33 {offsets = [0, 0], sizes = [10000, 64], strides = [1, 1]} : vector<10000x128xf32> to vector<10000x64xf32>
    %swap3A = arith.constant 0 : index
    %swap3A_34 = arith.constant 0 : index
    %swap3A_35 = arith.constant 0 : index
    %swap3A_36 = vector.load %arg4[%swap3A, %swap3A_34, %swap3A_35] : memref<2x10000x64xf32, #tpu.memory_space<vmem>>, vector<1x10000x64xf32>
    %swap3A_37 = vector.shape_cast %swap3A_36 : vector<1x10000x64xf32> to vector<10000x64xf32>
    %swap3A_38 = vector.shape_cast %slice3A : vector<10000x64xf32> to vector<1x10000x64xf32>
    tpu.vector_store %arg4[%swap3A, %swap3A_34, %swap3A_35], %swap3A_38 {strides = array<i32>} : memref<2x10000x64xf32, #tpu.memory_space<vmem>>, vector<1x10000x64xf32>,
    %slice3A_39 = vector.extract_strided_slice %max3A_33 {offsets = [0, 64], sizes = [10000, 64], strides = [1, 1]} : vector<10000x128xf32> to vector<10000x64xf32>
    %swap3A_40 = arith.constant 1 : index
    %swap3A_41 = arith.constant 0 : index
    %swap3A_42 = arith.constant 0 : index
    %swap3A_43 = vector.load %arg4[%swap3A_40, %swap3A_41, %swap3A_42] : memref<2x10000x64xf32, #tpu.memory_space<vmem>>, vector<1x10000x64xf32>
    %swap3A_44 = vector.shape_cast %swap3A_43 : vector<1x10000x64xf32> to vector<10000x64xf32>
    %swap3A_45 = vector.shape_cast %slice3A_39 : vector<10000x64xf32> to vector<1x10000x64xf32>
    tpu.vector_store %arg4[%swap3A_40, %swap3A_41, %swap3A_42], %swap3A_45 {strides = array<i32>} : memref<2x10000x64xf32, #tpu.memory_space<vmem>>, vector<1x10000x64xf32>,
    return
  }
}

module attributes {stable_mosaic.version = 14 : i64} {
  func.func @_tc_combine_body(%arg0: memref<2x10112x64xf32, #tpu.memory_space<vmem>>, %arg1: memref<2x10112x8xf32, #tpu.memory_space<vmem>>, %arg2: memref<128x128xf32, #tpu.memory_space<vmem>>, %arg3: memref<1x128xf32, #tpu.memory_space<vmem>>, %arg4: memref<10000x128xf32, #tpu.memory_space<vmem>>) attributes {dimension_semantics = [], scalar_prefetch = 0 : i64, scratch_operands = 0 : i64, tpu.core_type = #tpu.core_type<tc>} {
    %get3A = arith.constant 0 : index
    %get3A_0 = arith.constant 0 : index
    %get3A_1 = arith.constant 0 : index
    %get3A_2 = vector.load %arg1[%get3A, %get3A_0, %get3A_1] : memref<2x10112x8xf32, #tpu.memory_space<vmem>>, vector<1x10000x1xf32>
    %get3A_3 = vector.shape_cast %get3A_2 : vector<1x10000x1xf32> to vector<10000x1xf32>
    %max3A = arith.constant 1.000000e+00 : f32
    %max3A_4 = vector.broadcast %max3A : f32 to vector<10000x1xf32>
    %max3A_5 = arith.maximumf %get3A_3, %max3A_4 : vector<10000x1xf32>
    %get3A_6 = arith.constant 0 : index
    %get3A_7 = arith.constant 0 : index
    %get3A_8 = arith.constant 0 : index
    %get3A_9 = vector.load %arg0[%get3A_6, %get3A_7, %get3A_8] : memref<2x10112x64xf32, #tpu.memory_space<vmem>>, vector<1x10000x64xf32>
    %get3A_10 = vector.shape_cast %get3A_9 : vector<1x10000x64xf32> to vector<10000x64xf32>
    %get3A_11 = arith.constant 0 : index
    %get3A_12 = arith.constant 0 : index
    %get3A_13 = vector.load %arg2[%get3A_11, %get3A_12] : memref<128x128xf32, #tpu.memory_space<vmem>>, vector<64x128xf32>
    %dot_general3A = arith.constant dense<0.000000e+00> : vector<10000x128xf32>
    %dot_general3A_14 = tpu.matmul %get3A_10, %get3A_13, %dot_general3A {dimension_numbers = #tpu.dot_dimension_numbers<[1], [0], [0], [1], [0, 0, 1, 1], [], []>, transpose_lhs_hint = false} : vector<10000x64xf32>, vector<64x128xf32>, vector<10000x128xf32> -> vector<10000x128xf32>
    %get3A_15 = arith.constant 1 : index
    %get3A_16 = arith.constant 0 : index
    %get3A_17 = arith.constant 0 : index
    %get3A_18 = vector.load %arg0[%get3A_15, %get3A_16, %get3A_17] : memref<2x10112x64xf32, #tpu.memory_space<vmem>>, vector<1x10000x64xf32>
    %get3A_19 = vector.shape_cast %get3A_18 : vector<1x10000x64xf32> to vector<10000x64xf32>
    %get3A_20 = arith.constant 64 : index
    %get3A_21 = arith.constant 0 : index
    %get3A_22 = vector.load %arg2[%get3A_20, %get3A_21] : memref<128x128xf32, #tpu.memory_space<vmem>>, vector<64x128xf32>
    %dot_general3A_23 = arith.constant dense<0.000000e+00> : vector<10000x128xf32>
    %dot_general3A_24 = tpu.matmul %get3A_19, %get3A_22, %dot_general3A_23 {dimension_numbers = #tpu.dot_dimension_numbers<[1], [0], [0], [1], [0, 0, 1, 1], [], []>, transpose_lhs_hint = false} : vector<10000x64xf32>, vector<64x128xf32>, vector<10000x128xf32> -> vector<10000x128xf32>
    %add3A = arith.addf %dot_general3A_14, %dot_general3A_24 : vector<10000x128xf32>
    %div3A = vector.broadcast %max3A_5 : vector<10000x1xf32> to vector<10000x128xf32>
    %div3A_25 = arith.divf %add3A, %div3A : vector<10000x128xf32>
    %get3A_26 = arith.constant 0 : index
    %get3A_27 = arith.constant 0 : index
    %get3A_28 = vector.load %arg3[%get3A_26, %get3A_27] : memref<1x128xf32, #tpu.memory_space<vmem>>, vector<1x128xf32>
    %add3A_29 = vector.broadcast %get3A_28 : vector<1x128xf32> to vector<10000x128xf32>
    %add3A_30 = arith.addf %div3A_25, %add3A_29 : vector<10000x128xf32>
    %swap3A = arith.constant 0 : index
    %swap3A_31 = arith.constant 0 : index
    %swap3A_32 = vector.load %arg4[%swap3A, %swap3A_31] : memref<10000x128xf32, #tpu.memory_space<vmem>>, vector<10000x128xf32>
    tpu.vector_store %arg4[%swap3A, %swap3A_31], %add3A_30 {strides = array<i32>} : memref<10000x128xf32, #tpu.memory_space<vmem>>, vector<10000x128xf32>,
    return
  }
}

</mosaic_0001>

<sc_bundles>
// kernel: kernel.6.cloned.1.call-start
scs
__scs_entry_jumppad:
0x0: {  	(pc) =	sbr.rel $0x88, $3  }
0x1: {  	(tag) =	ssettag $0x0;
	lr =	simm.s32 $0x1  }
0x2: {  	[smem:$0x3F9B] =	sst lr;
	_ =	strace $0xD0000000  }
0x3: {  	_ = 	snop  }
0x4: {  	_ = 	snop  }
0x5: {  	_ = 	snop  }
0x6: {  	_ = 	snop  }
0x7: {  	_ = 	snop  }
__scs_overlays_trampoline_lowered:
0x8: {  	[smem:$0x3FAA] =	sst s0  }
0x9: {  	[smem:$0x3FAB] =	sst s1  }
0xa: {  	[smem:$0x3FAC] =	sst s2  }
0xb: {  	[smem:$0x3FAD] =	sst s3  }
0xc: {  	[smem:$0x3FAE] =	sst s4  }
0xd: {  	[smem:$0x3FAF] =	sst s5  }
0xe: {  	[smem:$0x3FB0] =	sst s6  }
0xf: {  	[smem:$0x3FB1] =	sst s7  }
0x10: {  	[smem:$0x3FB2] =	sst s8  }
0x11: {  	[smem:$0x3FB3] =	sst s9;
	s0 =	simm.s32 @!p0 $0x0  }
0x12: {  	s1 =	sld [smem:$0x3F99];
	s0 =	simm.s32 @p0 $0x1  }
0x13: {  	[smem:$0x3FB4] =	sst s0;
	s0 =	simm.s32 @!p1 $0x0  }
0x14: {  	s2 =	sld [smem:$0x3F98];
	s0 =	simm.s32 @p1 $0x1  }
0x15: {  	[smem:$0x3FB5] =	sst s0;
	s0 =	simm.s32 @!p2 $0x0  }
0x16: {  	s3 =	sld [smem:$0x3FDB];
	s0 =	simm.s32 @p2 $0x1  }
0x17: {  	s4 =	simm.s32 $0x1BF5;
	[smem:$0x3FB7] =	sst s0  }
0x18: {  	s0 =	sld [smem:$0x3F9A];
	_ =	swait.ge [sflag:s4], $0x0  }
0x19: {  	s7 =	sld [smem:$0x3F9B]  }
0x1a: {  	s8 =	sadd.s32 $0xFFFFE003, lr  }
0x1b: {  	s9 =	sadd.s32 $0xFFFFFEF7, lr;
	s5 =	simm.s32 $0xFFFFFFFF;
	p2 =	slt.u32 s8, $0xFFFFF086  }
0x1c: {  	p1 =	slt.u32 s9, $0xF7A;
	s5 =	simm.s32 @!p2 $0x0  }
0x1d: {  	s5 =	simm.s32 @p1 $0x1;
	p0 =	seq.s32 s7, s2  }
0x1e: {  	s7 =	smul.u32 @!p0 $0xF7A, s2;
	p2 =	seq.s32 @!p0 s5, $0x0  }
0x1f: {  	s9 =	smul.u32 $0xF7A, s1;
	s8 =	simm.s32 @!p0 $0x1BF5;
	p2 =	por !p2, p0  }
0x20: {  	[sflag:s8] =	ssyncset.s32 @!p0 $0xFFFFF086;
	s6 =	sadd.s32 @!p0 s3, s7;
	s7 =	simm.s32 @!p0 $0x108  }
0x21: {  	s3 =	sadd.s32 s3, s9;
	s6 =	sadd.s32 @!p0 $0x88, s6;
	s7 =	simm.s32 @p2 $0x1082  }
0x22: {  	[simem:s7], [sflag:s8] =	dma.local @!p0 [hbm:s6], $0xF7A  }
0x23: {  	s9 =	sor.u32 $0xD0000000, s2;
	s6 =	simm.s32 $0x108;
	_ =	swait.ge @!p0 [sflag:s8], $0x0  }
0x24: {  	s3 =	sadd.s32 $0x88, s3;
	s6 =	simm.s32 @!p1 $0x1082;
	[sflag:s4] =	ssyncset.s32 $0xFFFFF086  }
0x25: {  	[simem:s6], [sflag:s4] =	dma.local [hbm:s3], $0xF7A  }
0x26: {  	[smem:$0x3F9B] =	sst s1;
	(tag) =	ssettag s2;
	_ =	strace s9  }
0x27: {  	s1 =	sld [smem:$0x3FAB]  }
0x28: {  	s2 =	sld [smem:$0x3FAC]  }
0x29: {  	s4 =	sld [smem:$0x3FAE]  }
0x2a: {  	p0 =	seq.s32 s5, $0x0;
	s5 =	sld [smem:$0x3FAF]  }
0x2b: {  	s6 =	sld [smem:$0x3FB0]  }
0x2c: {  	s7 =	sld [smem:$0x3FB1]  }
0x2d: {  	s3 =	simm.s32 $0x108;
	s8 =	sld [smem:$0x3FB2]  }
0x2e: {  	s3 =	simm.s32 @!p0 $0x1082;
	s9 =	sld [smem:$0x3FB3]  }
0x2f: {  	lr =	sadd.s32 s0, s3;
	s0 =	sld [smem:$0x3FAA]  }
0x30: {  	s3 =	sld [smem:$0x3FAD]  }
0x31: {  	[smem:$0x3FB6] =	sst s10  }
0x32: {  	s10 =	sld [smem:$0x3FB4];
	_ =	sdelay $0x3  }
0x33: {  	p0 =	seq.s32 s10, $0x1;
	s10 =	sld [smem:$0x3FB6];
	_ =	sdelay $0x3  }
0x34: {  	[smem:$0x3FB6] =	sst s10  }
0x35: {  	s10 =	sld [smem:$0x3FB5];
	_ =	sdelay $0x3  }
0x36: {  	p1 =	seq.s32 s10, $0x1;
	s10 =	sld [smem:$0x3FB6];
	_ =	sdelay $0x3  }
0x37: {  	[smem:$0x3FB6] =	sst s10  }
0x38: {  	s10 =	sld [smem:$0x3FB7]  }
0x39: {  	_ = 	snop;
	(pc) =	sbr.ind lr, $3  }
0x3a: {  	_ = 	snop  }
0x3b: {  	_ = 	snop  }
0x3c: {  	p2 =	seq.s32 s10, $0x1;
	s10 =	sld [smem:$0x3FB6]  }
0x3d: {  	_ =	shalt  }
0x3e: {  	_ =	shalt  }
0x3f: {  	_ =	shalt  }
0x40: {  	_ =	shalt  }
0x41: {  	_ =	shalt  }
0x42: {  	_ =	shalt  }
0x43: {  	_ =	shalt  }
0x44: {  	_ =	shalt  }
0x45: {  	_ =	shalt  }
0x46: {  	_ =	shalt  }
0x47: {  	_ =	shalt  }
0x48: {  	_ =	shalt  }
0x49: {  	_ =	shalt  }
0x4a: {  	_ =	shalt  }
0x4b: {  	_ =	shalt  }
0x4c: {  	_ =	shalt  }
0x4d: {  	_ =	shalt  }
0x4e: {  	_ =	shalt  }
0x4f: {  	_ =	shalt  }
0x50: {  	_ =	shalt  }
0x51: {  	_ =	shalt  }
0x52: {  	_ =	shalt  }
0x53: {  	_ =	shalt  }
0x54: {  	_ =	shalt  }
0x55: {  	_ =	shalt  }
0x56: {  	_ =	shalt  }
0x57: {  	_ =	shalt  }
0x58: {  	_ =	shalt  }
0x59: {  	_ =	shalt  }
0x5a: {  	_ =	shalt  }
0x5b: {  	_ =	shalt  }
0x5c: {  	_ =	shalt  }
0x5d: {  	_ =	shalt  }
0x5e: {  	_ =	shalt  }
0x5f: {  	_ =	shalt  }
0x60: {  	_ =	shalt  }
0x61: {  	_ =	shalt  }
0x62: {  	_ =	shalt  }
0x63: {  	_ =	shalt  }
0x64: {  	_ =	shalt  }
0x65: {  	_ =	shalt  }
0x66: {  	_ =	shalt  }
0x67: {  	_ =	shalt  }
0x68: {  	_ =	shalt  }
0x69: {  	_ =	shalt  }
0x6a: {  	_ =	shalt  }
0x6b: {  	_ =	shalt  }
0x6c: {  	_ =	shalt  }
0x6d: {  	_ =	shalt  }
0x6e: {  	_ =	shalt  }
0x6f: {  	_ =	shalt  }
0x70: {  	_ =	shalt  }
0x71: {  	_ =	shalt  }
0x72: {  	_ =	shalt  }
0x73: {  	_ =	shalt  }
0x74: {  	_ =	shalt  }
0x75: {  	_ =	shalt  }
0x76: {  	_ =	shalt  }
0x77: {  	_ =	shalt  }
0x78: {  	_ =	shalt  }
0x79: {  	_ =	shalt  }
0x7a: {  	_ =	shalt  }
0x7b: {  	_ =	shalt  }
0x7c: {  	_ =	shalt  }
0x7d: {  	_ =	shalt  }
0x7e: {  	_ =	shalt  }
0x7f: {  	_ =	shalt  }
0x80: {  	_ =	shalt  }
0x81: {  	_ =	shalt  }
0x82: {  	_ =	shalt  }
0x83: {  	_ =	shalt  }
0x84: {  	_ =	shalt  }
0x85: {  	_ =	shalt  }
0x86: {  	_ =	shalt  }
0x87: {  	_ =	shalt  }
.Lfunc_end0:
.L_simem_size_0:
called_computation_lowered:
.L_overlay_start_0:
0x88: {  	s2 =	sld [smem:$0x3FD9]  }
0x89: {  	s3 =	sld [smem:$0x3FFE];
	_ =	sdelay $0x1  }
0x8a: {  	s1 =	srdreg.scid  }
0x8b: {  	s0 =	sand.u32 $0x1, s1  }
0x8c: {  	s17 =	sshll.u32 s0, $0xA;
	s2 =	sadd.s32 s3, s2  }
0x8d: {  	s2 =	sadd.s32 s2, s17  }
0x8e: {  	[smem:$0x3FC2] =	sst s2  }
0x8f: {  	_ = 	snop  }
0x90: {  	s2 =	sld [smem:$0x3FD0];
	(tm) =	ssettm $0x1  }
0x91: {  	s18 =	sld [smem:$0x3FFB];
	_ =	sdelay $0x3  }
0x92: {  	_ =	strace s18  }
0x93: {  	s3 =	sld [smem:$0x3FFC];
	_ =	sdelay $0x3  }
0x94: {  	_ =	strace s3  }
0x95: {  	s3 =	sld [smem:$0x3FFD];
	_ =	sdelay $0x3  }
0x96: {  	_ =	strace s3  }
0x97: {  	_ =	strace $0x8FFFFFFF  }
0x98: {  	s19 =	sld [smem:$0x3FDB];
	_ =	sdelay $0x1  }
0x99: {  	s4 =	simm.s32 $_scs_section_size  }
0x9a: {  	s5 =	simm.s32 $_size__tile_overlayer_lowered;
	s6 =	simm.s32 $_tile_overlayer_lowered  }
0x9b: {  	s22 =	simm.s32 $0x1BFF;
	s21 =	sshll.u32 s6, $0x1;
	s3 =	sadd.s32 s4, s19  }
0x9c: {  	s7 =	simm.s32 $0x0;
	s20 =	sshll.u32 s5, $0x1;
	s5 =	sadd.s32 s21, s3  }
0x9d: {  	[timem:s7], [sflag:s22] =	dma.local [hbm:s5], s20  }
0x9e: {  	_ =	swait.ge [sflag:s22], s20  }
0x9f: {  	s4 =	ssub.s32 $0x0, s20;
	[sflag:s22] =	ssyncset.done $0x0  }
0xa0: {  	[sflag:s22] =	ssyncadd.s32 s4;
	_ =	sdelay $0x1  }
0xa1: {  	s23 =	simm.s32 $0x1B8B  }
0xa2: {  	_ =	swait.ge [sflag:s23], $0x1  }
0xa3: {  	[sflag:s23] =	ssyncset.done $0x0  }
0xa4: {  	s25 =	simm.s32 $0x1B8E;
	s24 =	sld [smem:$0x3FFE];
	[sflag:s23] =	ssyncadd.s32 $0xFFFFFFFF  }
0xa5: {  	s26 =	simm.s32 $execute0_lowered;
	[smem:$0x3FD2] =	sst s25  }
0xa6: {  	s5 =	sshll.u32 s26, $0x1;
	_ =	strace $0x80000046;
	[dreg:$0x1] =	wrdreg $0xFFFFFFFF  }
0xa7: {  	s28 =	simm.s32 $_size_execute0_lowered;
	s3 =	sadd.s32 s3, s5;
	[dreg:$0x0] =	wrdreg $0x0  }
0xa8: {  	s5 =	sshll.u32 s28, $0x1;
	[dreg:$0x2] =	wrdreg s3  }
0xa9: {  	[dreg:$0x3] =	wrdreg s5  }
0xaa: {  	[dreg:$0x4] =	wrdreg $0xC0  }
0xab: {  	_ =	task [dreg:s7], $0x5FFFF  }
0xac: {  	[dreg:$0x1] =	wrdreg $0xFFFFFFFF  }
0xad: {  	[dreg:$0x0] =	wrdreg $0x60  }
0xae: {  	[dreg:$0x2] =	wrdreg s2  }
0xaf: {  	[dreg:$0x3] =	wrdreg s24  }
0xb0: {  	[dreg:$0x4] =	wrdreg $0xE0000  }
0xb1: {  	[dreg:$0x5] =	wrdreg $0x182000  }
0xb2: {  	[dreg:$0x6] =	wrdreg $0x9  }
0xb3: {  	_ =	task.clear_ibuf [dreg:s7], $0x7FFFF;
	_ =	strace $0x90000046  }
0xb4: {  	s29 =	simm.s32 $0x9;
	_ =	strace $0x80000048  }
0xb5: {  	_ =	swait.ge [sflag:s29], $0x1  }
0xb6: {  	[sflag:s29] =	ssyncadd.s32 $0xFFFFFFFF  }
0xb7: {  	_ =	strace $0x90000048  }
0xb8: {  	_ =	sfence  }
0xb9: {  	s30 =	sld [smem:$0x0];
	_ =	sdelay $0x2  }
0xba: {  	s31 =	sshll.u32 s1, $0xD;
	s1 =	sshrl.u32 s1, $0x2  }
0xbb: {  	s3 =	sand.u32 $0x4000, s31;
	s1 =	sadd.s32 s1, s30  }
0xbc: {  	s0 =	sor.u32 s3, s0;
	s1 =	sshll.u32 s1, $0x11  }
0xbd: {  	s0 =	sor.u32 s1, s0  }
0xbe: {  	s0 =	sadd.s32 $0x8F2B, s0  }
0xbf: {  	[sflag:s0] =	ssyncadd.remote.s32 $0x1  }
0xc0: {  	_ =	sfence.sel $0xFFFF  }
0xc1: {  	[dreg:$0x0] =	wrdreg $0xFFFFFFFF;
	(pc) =	sbr.abs _section_cstart, $3  }
0xc2: {  	[dreg:$0x1] =	wrdreg $0xFFFFFFFF  }
0xc3: {  	_ =	task.clear_ibuf [dreg:s7], $0x2FFFF;
	_ =	strace $0x9FFFFFFF  }
0xc4: {  	(tm) =	ssettm $0x7FFFFFFF  }
0xc5: {  	_ =	shalt  }
tec
execute0_lowered:
.L_overlay_start_1:
0x0: {  	(tag) =	ssettag $0x1  }
0x1: {  	s0 =	rddreg [dreg:$0x0]  }
0x2: {  	s1 =	rddreg [dreg:$0x1]  }
0x3: {  	s2 =	rddreg [dreg:$0x2]  }
0x4: {  	s3 =	rddreg [dreg:$0x3];
	s16 =	stileid.u32  }
0x5: {  	s6 =	srdreg.scid;
	s4 =	simm.s32 $0x0;
	s18 =	simm.s32 $0x17E00  }
0x6: {  	s20 =	simm.s32 $0x80;
	s21 =	simm.s32 $0xA000;
	s22 =	simm.s32 $0xC000  }
0x7: {  	s29 =	simm.s32 $0x9E80;
	s30 =	simm.s32 $0x9F00;
	s5 =	smul.u32 $0xA00, s16  }
0x8: {  	s31 =	simm.s32 $0x9F80;
	s9 =	sand.u32 $0x1, s6;
	s8 =	smul.u32 $0x9E00, s16  }
0x9: {  	[smem:$0x7FF] =	sst s4;
	s11 =	smul.u32 $0x13C0, s16;
	s6 =	sadd.s32 $0x16000, s1  }
0xa: {  	s7 =	sadd.s32 $0x15E00, s1;
	s25 =	sshll.u32 s16, $0x6;
	s10 =	smul.u32 $0x9E000, s9  }
0xb: {  	s16 =	simm.s32 $0x3;
	_ =	strace $0x80000047;
	s13 =	smul.u32 $0x13C00, s9  }
0xc: {  	s14 =	ssub.s32 $0x2, s9;
	s28 =	smul.u32 $0x13880, s9;
	s12 =	sadd.s32 s5, s1  }
0xd: {  	s5 =	sadd.s32 $0x16400, s1;
	s24 =	sshrl.u32 s14, $0x1;
	s26 =	sadd.s32 s8, s2  }
0xe: {  	s17 =	sadd.s32 s11, s3;
	s10 =	sadd.s32 s8, s10;
	s13 =	sadd.s32 s11, s13  }
0xf: {  	s14 =	ssub.s32 s14, s24;
	s8 =	sor.u32 $0x1C03, s25;
	s9 =	sadd.s32 $0xBE00, s12  }
0x10: {  	s11 =	sadd.s32 s0, s28;
	s17 =	sshrl.u32 s17, $0x3;
	s24 =	simm.s32 $0x2  }
0x11: {  	s0 =	simm.s32 $0x0;
	s10 =	sshrl.u32 s10, $0x3;
	s23 =	sshrl.u32 s13, $0x3  }
0x12: {  	s14 =	smax.u32 s14, $0x1;
	s15 =	sadd.s32 s10, s1;
	s1 =	sadd.s32 s23, s1  }
0x13: {  	s10 =	sadd.s32 $0x1E00, s12;
	s23 =	simm.s32 $0x1;
	s12 =	sadd.s32 $0x17800, s15  }
0x14: {  	s13 =	sadd.s32 $0x3F000, s1;
	s15 =	sshrl.u32 s26, $0x3;
	s26 =	simm.s32 $0x9E00  }
.LBB2_1:
0x15: {  	[spmem:s15], [sflag:s8] =	dma.local [hbm:s5], $0x13C0  }
0x16: {  	_ =	swait.ge [sflag:s16], $0x13C0  }
0x17: {  	[sflag:s16] =	ssyncset.done $0x0  }
0x18: {  	[sflag:s16] =	ssyncadd.s32 $0xFFFFEC40  }
0x19: {  	[spmem:s17], [sflag:s8] =	dma.local [hbm:s6], $0x278  }
0x1a: {  	_ =	swait.ge [sflag:s16], $0x278  }
0x1b: {  	[sflag:s16] =	ssyncset.done $0x0  }
0x1c: {  	[sflag:s16] =	ssyncadd.s32 $0xFFFFFD88  }
0x1d: {  	[tilespmem:s18], [sflag:$0x3] =	stream.linear.gather [hbm4b:s7+s4], $0x400, $0x38;
	[tilespmem:$0x195C0] =	vst v63  }
0x1e: {  	_ =	swait.ge [sflag:s16], $0x400  }
0x1f: {  	[sflag:s16] =	ssyncset.done $0x0  }
0x20: {  	[sflag:s16] =	ssyncadd.s32 $0xFFFFFC00  }
0x21: {  	[tilespmem:s4], [sflag:$0x3] =	stream.linear.gather [hbm4b:s9+s4], $0x5000, $0x38;
	[tilespmem:$0x195C0] =	vst v63  }
0x22: {  	_ =	swait.ge [sflag:s16], $0x5000  }
0x23: {  	[sflag:s16] =	ssyncset.done $0x0  }
0x24: {  	s1 =	simm.s32 $0x5000;
	[sflag:s16] =	ssyncadd.s32 $0xFFFFB000  }
0x25: {  	[tilespmem:s1], [sflag:$0x3] =	stream.linear.gather [hbm4b:s10+s4], $0x5000, $0x38;
	[tilespmem:$0x195C0] =	vst v63  }
0x26: {  	_ =	swait.ge [sflag:s16], $0x5000  }
0x27: {  	[sflag:s16] =	ssyncset.done $0x0  }
0x28: {  	[sflag:s16] =	ssyncadd.s32 $0xFFFFB000  }
0x29: {  	[bflag:$0x0] =	sbarrier.arrive $0xFFFF  }
0x2a: {  	[tilespmem:s21], [sflag:$0x1] =	stream.indirect.gather [hbm4b:s11+s20], $0x40, s4, s20, $0xb8;
	[tilespmem:$0x195C0] =	vst v63  }
0x2b: {  	_ = 	snop  }
0x2c: {  	[tilespmem:s22], [sflag:$0x2] =	stream.indirect.gather [hbm4b:s11+s20], $0x40, s20, s20, $0xb8;
	[tilespmem:$0x195C0] =	vst v63  }
0x2d: {  	_ =	swait.ge [sflag:s23], $0x2000  }
0x2e: {  	[sflag:s23] =	ssyncset.done $0x0  }
0x2f: {  	s25 =	simm.s32 $0x100;
	[sflag:s23] =	ssyncadd.s32 $0xFFFFE000  }
0x30: {  	[tilespmem:s21], [sflag:$0x1] =	stream.indirect.gather [hbm4b:s11+s20], $0x40, s25, s20, $0xb8;
	[tilespmem:$0x195C0] =	vst v63  }
0x31: {  	s28 =	simm.s32 $0x5000  }
0x32: {  	[spmem:s2] =	stream.indirect.scatter.add.f32 [tilespmem:s21], [sflag:$0x3], $0x40, s28, s20, $0xb8;
	[tilespmem:$0x195C0] =	vst v63  }
0x33: {  	_ =	swait.ge [sflag:s16], $0x2000  }
0x34: {  	[sflag:s16] =	ssyncset.done $0x0  }
0x35: {  	[sflag:s16] =	ssyncadd.s32 $0xFFFFE000  }
0x36: {  	[spmem:s3] =	stream.indirect.scatter.add.f32 [tilespmem:s18], [sflag:$0x3], $0x8, s28, s20, $0xb8;
	[tilespmem:$0x195C0] =	vst v63  }
0x37: {  	_ =	swait.ge [sflag:s16], $0x400  }
0x38: {  	[sflag:s16] =	ssyncset.done $0x0  }
0x39: {  	[sflag:s16] =	ssyncadd.s32 $0xFFFFFC00  }
0x3a: {  	_ =	swait.ge [sflag:s24], $0x2000  }
0x3b: {  	[sflag:s24] =	ssyncset.done $0x0  }
0x3c: {  	s19 =	simm.s32 $0x180;
	[sflag:s24] =	ssyncadd.s32 $0xFFFFE000  }
0x3d: {  	[tilespmem:s22], [sflag:$0x2] =	stream.indirect.gather [hbm4b:s11+s20], $0x40, s19, s20, $0xb8;
	[tilespmem:$0x195C0] =	vst v63  }
0x3e: {  	s25 =	simm.s32 $0x5080  }
0x3f: {  	[spmem:s2] =	stream.indirect.scatter.add.f32 [tilespmem:s22], [sflag:$0x3], $0x40, s25, s20, $0xb8;
	[tilespmem:$0x195C0] =	vst v63  }
0x40: {  	_ =	swait.ge [sflag:s16], $0x2000  }
0x41: {  	[sflag:s16] =	ssyncset.done $0x0  }
0x42: {  	[sflag:s16] =	ssyncadd.s32 $0xFFFFE000  }
0x43: {  	[spmem:s3] =	stream.indirect.scatter.add.f32 [tilespmem:s18], [sflag:$0x3], $0x8, s25, s20, $0xb8;
	[tilespmem:$0x195C0] =	vst v63  }
0x44: {  	_ =	swait.ge [sflag:s16], $0x400  }
0x45: {  	[sflag:s16] =	ssyncset.done $0x0  }
0x46: {  	[sflag:s16] =	ssyncadd.s32 $0xFFFFFC00  }
0x47: {  	_ =	swait.ge [sflag:s23], $0x2000  }
0x48: {  	[sflag:s23] =	ssyncset.done $0x0  }
0x49: {  	s28 =	simm.s32 $0x200;
	[sflag:s23] =	ssyncadd.s32 $0xFFFFE000  }
0x4a: {  	[tilespmem:s21], [sflag:$0x1] =	stream.indirect.gather [hbm4b:s11+s20], $0x40, s28, s20, $0xb8;
	[tilespmem:$0x195C0] =	vst v63  }
0x4b: {  	s19 =	simm.s32 $0x5100  }
0x4c: {  	[spmem:s2] =	stream.indirect.scatter.add.f32 [tilespmem:s21], [sflag:$0x3], $0x40, s19, s20, $0xb8;
	[tilespmem:$0x195C0] =	vst v63  }
0x4d: {  	_ =	swait.ge [sflag:s16], $0x2000  }
0x4e: {  	[sflag:s16] =	ssyncset.done $0x0  }
0x4f: {  	[sflag:s16] =	ssyncadd.s32 $0xFFFFE000  }
0x50: {  	[spmem:s3] =	stream.indirect.scatter.add.f32 [tilespmem:s18], [sflag:$0x3], $0x8, s19, s20, $0xb8;
	[tilespmem:$0x195C0] =	vst v63  }
0x51: {  	_ =	swait.ge [sflag:s16], $0x400  }
0x52: {  	[sflag:s16] =	ssyncset.done $0x0  }
0x53: {  	[sflag:s16] =	ssyncadd.s32 $0xFFFFFC00  }
0x54: {  	_ =	swait.ge [sflag:s24], $0x2000  }
0x55: {  	[sflag:s24] =	ssyncset.done $0x0  }
0x56: {  	s25 =	simm.s32 $0x280;
	[sflag:s24] =	ssyncadd.s32 $0xFFFFE000  }
0x57: {  	[tilespmem:s22], [sflag:$0x2] =	stream.indirect.gather [hbm4b:s11+s20], $0x40, s25, s20, $0xb8;
	[tilespmem:$0x195C0] =	vst v63  }
0x58: {  	s28 =	simm.s32 $0x5180  }
0x59: {  	[spmem:s2] =	stream.indirect.scatter.add.f32 [tilespmem:s22], [sflag:$0x3], $0x40, s28, s20, $0xb8;
	[tilespmem:$0x195C0] =	vst v63  }
0x5a: {  	_ =	swait.ge [sflag:s16], $0x2000  }
0x5b: {  	[sflag:s16] =	ssyncset.done $0x0  }
0x5c: {  	[sflag:s16] =	ssyncadd.s32 $0xFFFFE000  }
0x5d: {  	[spmem:s3] =	stream.indirect.scatter.add.f32 [tilespmem:s18], [sflag:$0x3], $0x8, s28, s20, $0xb8;
	[tilespmem:$0x195C0] =	vst v63  }
0x5e: {  	_ =	swait.ge [sflag:s16], $0x400  }
0x5f: {  	s1 =	simm.s32 $0x0;
	s19 =	simm.s32 $0x0;
	[sflag:s16] =	ssyncset.done $0x0  }
.LBB2_2:
0x60: {  	s1 =	sadd.s32 $0x2, s1;
	[sflag:s16] =	ssyncadd.s32 $0xFFFFFC00;
	s19 =	sadd.s32 $0x800, s19  }
0x61: {  	_ =	swait.ge [sflag:s23], $0x2000;
	p0 =	slt.u32 s1, $0x4C  }
0x62: {  	s25 =	sshra.s32 s19, $0x2;
	[sflag:s23] =	ssyncset.done $0x0  }
0x63: {  	s28 =	sadd.s32 $0x100, s25;
	[sflag:s23] =	ssyncadd.s32 $0xFFFFE000  }
0x64: {  	[tilespmem:s21], [sflag:$0x1] =	stream.indirect.gather [hbm4b:s11+s20], $0x40, s28, s20, $0xb8;
	[tilespmem:$0x195C0] =	vst v63  }
0x65: {  	s28 =	sadd.s32 $0x5000, s25  }
0x66: {  	[spmem:s2] =	stream.indirect.scatter.add.f32 [tilespmem:s21], [sflag:$0x3], $0x40, s28, s20, $0xb8;
	[tilespmem:$0x195C0] =	vst v63  }
0x67: {  	_ =	swait.ge [sflag:s16], $0x2000  }
0x68: {  	[sflag:s16] =	ssyncset.done $0x0  }
0x69: {  	[sflag:s16] =	ssyncadd.s32 $0xFFFFE000  }
0x6a: {  	[spmem:s3] =	stream.indirect.scatter.add.f32 [tilespmem:s18], [sflag:$0x3], $0x8, s28, s20, $0xb8;
	[tilespmem:$0x195C0] =	vst v63  }
0x6b: {  	_ =	swait.ge [sflag:s16], $0x400  }
0x6c: {  	[sflag:s16] =	ssyncset.done $0x0  }
0x6d: {  	[sflag:s16] =	ssyncadd.s32 $0xFFFFFC00  }
0x6e: {  	_ =	swait.ge [sflag:s24], $0x2000  }
0x6f: {  	[sflag:s24] =	ssyncset.done $0x0  }
0x70: {  	s28 =	sadd.s32 $0x180, s25;
	[sflag:s24] =	ssyncadd.s32 $0xFFFFE000  }
0x71: {  	[tilespmem:s22], [sflag:$0x2] =	stream.indirect.gather [hbm4b:s11+s20], $0x40, s28, s20, $0xb8;
	[tilespmem:$0x195C0] =	vst v63  }
0x72: {  	s28 =	sadd.s32 $0x5080, s25  }
0x73: {  	[spmem:s2] =	stream.indirect.scatter.add.f32 [tilespmem:s22], [sflag:$0x3], $0x40, s28, s20, $0xb8;
	[tilespmem:$0x195C0] =	vst v63  }
0x74: {  	_ =	swait.ge [sflag:s16], $0x2000  }
0x75: {  	[sflag:s16] =	ssyncset.done $0x0  }
0x76: {  	[sflag:s16] =	ssyncadd.s32 $0xFFFFE000  }
0x77: {  	[spmem:s3] =	stream.indirect.scatter.add.f32 [tilespmem:s18], [sflag:$0x3], $0x8, s28, s20, $0xb8;
	[tilespmem:$0x195C0] =	vst v63  }
0x78: {  	_ =	swait.ge [sflag:s16], $0x400  }
0x79: {  	[sflag:s16] =	ssyncset.done $0x0  }
0x7a: {  	[sflag:s16] =	ssyncadd.s32 $0xFFFFFC00  }
0x7b: {  	_ =	swait.ge [sflag:s23], $0x2000  }
0x7c: {  	[sflag:s23] =	ssyncset.done $0x0  }
0x7d: {  	s28 =	sadd.s32 $0x200, s25;
	[sflag:s23] =	ssyncadd.s32 $0xFFFFE000  }
0x7e: {  	[tilespmem:s21], [sflag:$0x1] =	stream.indirect.gather [hbm4b:s11+s20], $0x40, s28, s20, $0xb8;
	[tilespmem:$0x195C0] =	vst v63  }
0x7f: {  	s28 =	sadd.s32 $0x5100, s25  }
0x80: {  	[spmem:s2] =	stream.indirect.scatter.add.f32 [tilespmem:s21], [sflag:$0x3], $0x40, s28, s20, $0xb8;
	[tilespmem:$0x195C0] =	vst v63  }
0x81: {  	_ =	swait.ge [sflag:s16], $0x2000  }
0x82: {  	[sflag:s16] =	ssyncset.done $0x0  }
0x83: {  	[sflag:s16] =	ssyncadd.s32 $0xFFFFE000  }
0x84: {  	[spmem:s3] =	stream.indirect.scatter.add.f32 [tilespmem:s18], [sflag:$0x3], $0x8, s28, s20, $0xb8;
	[tilespmem:$0x195C0] =	vst v63  }
0x85: {  	_ =	swait.ge [sflag:s16], $0x400  }
0x86: {  	[sflag:s16] =	ssyncset.done $0x0  }
0x87: {  	[sflag:s16] =	ssyncadd.s32 $0xFFFFFC00  }
0x88: {  	_ =	swait.ge [sflag:s24], $0x2000  }
0x89: {  	[sflag:s24] =	ssyncset.done $0x0  }
0x8a: {  	s28 =	sadd.s32 $0x280, s25;
	[sflag:s24] =	ssyncadd.s32 $0xFFFFE000  }
0x8b: {  	[tilespmem:s22], [sflag:$0x2] =	stream.indirect.gather [hbm4b:s11+s20], $0x40, s28, s20, $0xb8;
	[tilespmem:$0x195C0] =	vst v63  }
0x8c: {  	s25 =	sadd.s32 $0x5180, s25  }
0x8d: {  	[spmem:s2] =	stream.indirect.scatter.add.f32 [tilespmem:s22], [sflag:$0x3], $0x40, s25, s20, $0xb8;
	[tilespmem:$0x195C0] =	vst v63  }
0x8e: {  	_ =	swait.ge [sflag:s16], $0x2000  }
.Ltmp0:
0x8f: {  	[sflag:s16] =	ssyncset.done $0x0;
	(pc) =	sbr.rel @p0 .LBB2_2-.Ltmp0, $4  }
0x90: {  	[sflag:s16] =	ssyncadd.s32 $0xFFFFE000  }
0x91: {  	[spmem:s3] =	stream.indirect.scatter.add.f32 [tilespmem:s18], [sflag:$0x3], $0x8, s25, s20, $0xb8;
	[tilespmem:$0x195C0] =	vst v63  }
0x92: {  	_ =	swait.ge [sflag:s16], $0x400  }
0x93: {  	[sflag:s16] =	ssyncset.done $0x0  }
0x94: {  	[sflag:s16] =	ssyncadd.s32 $0xFFFFFC00  }
0x95: {  	_ =	swait.ge [sflag:s23], $0x2000  }
0x96: {  	[sflag:s23] =	ssyncset.done $0x0  }
0x97: {  	s1 =	simm.s32 $0x4F00;
	[sflag:s23] =	ssyncadd.s32 $0xFFFFE000  }
0x98: {  	[tilespmem:s21], [sflag:$0x1] =	stream.indirect.gather [hbm4b:s11+s20], $0x40, s1, s20, $0xb8;
	[tilespmem:$0x195C0] =	vst v63  }
0x99: {  	_ = 	snop  }
0x9a: {  	[spmem:s2] =	stream.indirect.scatter.add.f32 [tilespmem:s21], [sflag:$0x3], $0x40, s26, s20, $0xb8;
	[tilespmem:$0x195C0] =	vst v63  }
0x9b: {  	_ =	swait.ge [sflag:s16], $0x2000  }
0x9c: {  	[sflag:s16] =	ssyncset.done $0x0  }
0x9d: {  	[sflag:s16] =	ssyncadd.s32 $0xFFFFE000  }
0x9e: {  	[spmem:s3] =	stream.indirect.scatter.add.f32 [tilespmem:s18], [sflag:$0x3], $0x8, s26, s20, $0xb8;
	[tilespmem:$0x195C0] =	vst v63  }
0x9f: {  	_ =	swait.ge [sflag:s16], $0x400  }
0xa0: {  	[sflag:s16] =	ssyncset.done $0x0  }
0xa1: {  	[sflag:s16] =	ssyncadd.s32 $0xFFFFFC00  }
0xa2: {  	_ =	swait.ge [sflag:s24], $0x2000  }
0xa3: {  	[sflag:s24] =	ssyncset.done $0x0  }
0xa4: {  	s28 =	simm.s32 $0x4F80;
	[sflag:s24] =	ssyncadd.s32 $0xFFFFE000  }
0xa5: {  	[tilespmem:s22], [sflag:$0x2] =	stream.indirect.gather [hbm4b:s11+s20], $0x40, s28, s20, $0xb8;
	[tilespmem:$0x195C0] =	vst v63  }
0xa6: {  	_ = 	snop  }
0xa7: {  	[spmem:s2] =	stream.indirect.scatter.add.f32 [tilespmem:s22], [sflag:$0x3], $0x40, s29, s20, $0xb8;
	[tilespmem:$0x195C0] =	vst v63  }
0xa8: {  	_ =	swait.ge [sflag:s16], $0x2000  }
0xa9: {  	[sflag:s16] =	ssyncset.done $0x0  }
0xaa: {  	[sflag:s16] =	ssyncadd.s32 $0xFFFFE000  }
0xab: {  	[spmem:s3] =	stream.indirect.scatter.add.f32 [tilespmem:s18], [sflag:$0x3], $0x8, s29, s20, $0xb8;
	[tilespmem:$0x195C0] =	vst v63  }
0xac: {  	_ =	swait.ge [sflag:s16], $0x400  }
0xad: {  	[sflag:s16] =	ssyncset.done $0x0  }
0xae: {  	[sflag:s16] =	ssyncadd.s32 $0xFFFFFC00  }
0xaf: {  	_ =	swait.ge [sflag:s23], $0x2000  }
0xb0: {  	[sflag:s23] =	ssyncset.done $0x0  }
0xb1: {  	[sflag:s23] =	ssyncadd.s32 $0xFFFFE000  }
0xb2: {  	[spmem:s2] =	stream.indirect.scatter.add.f32 [tilespmem:s21], [sflag:$0x3], $0x40, s30, s20, $0xb8;
	[tilespmem:$0x195C0] =	vst v63  }
0xb3: {  	_ =	swait.ge [sflag:s16], $0x2000  }
0xb4: {  	[sflag:s16] =	ssyncset.done $0x0  }
0xb5: {  	[sflag:s16] =	ssyncadd.s32 $0xFFFFE000  }
0xb6: {  	[spmem:s3] =	stream.indirect.scatter.add.f32 [tilespmem:s18], [sflag:$0x3], $0x8, s30, s20, $0xb8;
	[tilespmem:$0x195C0] =	vst v63  }
0xb7: {  	_ =	swait.ge [sflag:s16], $0x400  }
0xb8: {  	[sflag:s16] =	ssyncset.done $0x0  }
0xb9: {  	[sflag:s16] =	ssyncadd.s32 $0xFFFFFC00  }
0xba: {  	_ =	swait.ge [sflag:s24], $0x2000  }
0xbb: {  	[sflag:s24] =	ssyncset.done $0x0  }
0xbc: {  	[sflag:s24] =	ssyncadd.s32 $0xFFFFE000  }
0xbd: {  	[spmem:s2] =	stream.indirect.scatter.add.f32 [tilespmem:s22], [sflag:$0x3], $0x40, s31, s20, $0xb8;
	[tilespmem:$0x195C0] =	vst v63  }
0xbe: {  	_ =	swait.ge [sflag:s16], $0x2000  }
0xbf: {  	[sflag:s16] =	ssyncset.done $0x0  }
0xc0: {  	[sflag:s16] =	ssyncadd.s32 $0xFFFFE000  }
0xc1: {  	[spmem:s3] =	stream.indirect.scatter.add.f32 [tilespmem:s18], [sflag:$0x3], $0x8, s31, s20, $0xb8;
	[tilespmem:$0x195C0] =	vst v63  }
0xc2: {  	_ =	swait.ge [sflag:s16], $0x400  }
0xc3: {  	[sflag:s16] =	ssyncset.done $0x0  }
0xc4: {  	[sflag:s16] =	ssyncadd.s32 $0xFFFFFC00  }
0xc5: {  	[bflag:$0x0] =	sbarrier.arrive $0xFFFF  }
0xc6: {  	[hbm:s12], [sflag:s8] =	dma.local [spmem:s15], $0x13C0  }
0xc7: {  	s0 =	sadd.s32 $0x1, s0;
	_ =	swait.ge [sflag:s16], $0x13C0  }
0xc8: {  	p0 =	sne.s32 s0, s14;
	[sflag:s16] =	ssyncset.done $0x0  }
.Ltmp1:
0xc9: {  	[sflag:s16] =	ssyncadd.s32 $0xFFFFEC40;
	(pc) =	sbr.rel @p0 .LBB2_1-.Ltmp1, $4  }
0xca: {  	[hbm:s13], [sflag:s8] =	dma.local [spmem:s17], $0x278  }
0xcb: {  	_ =	swait.ge [sflag:s16], $0x278  }
0xcc: {  	[sflag:s16] =	ssyncset.done $0x0  }
0xcd: {  	[sflag:s16] =	ssyncadd.s32 $0xFFFFFD88  }
0xce: {  	_ =	sfence.sel $0x180000  }
0xcf: {  	[bflag:$0x0] =	sbarrier.arrive $0xFFFF  }
0xd0: {  	_ =	strace $0x90000047  }
0xd1: {  	s0 =	stileid.u32;
	[bflag:$0x2] =	sbarrier.arrive $0xFFFF  }
0xd2: {  	p0 =	sne.s32 s0, $0x0;
	s0 =	rddreg [dreg:$0x4]  }
0xd3: {  	s0 =	sadd.s32 @!p0 $0x100000, s0  }
0xd4: {  	[sflag:s0] =	ssyncadd.tile.s32 @!p0 $0x1;
	_ =	shalt  }
.Lfunc_end2:
_tile_overlayer_lowered:
.L_overlay_start_2:
0xd5: {  	(tag) =	ssettag $0x2  }
0xd6: {  	s0 =	rddreg [dreg:$0x0];
	s2 =	stileid.u32  }
0xd7: {  	s1 =	rddreg [dreg:$0x1];
	p0 =	sne.s32 s2, $0x0  }
0xd8: {  	s3 =	rddreg [dreg:$0x2];
	[bflag:$0x3] =	sbarrier.arrive $0xFFFF;
	s2 =	simm.s32 @!p0 $0x1C03  }
0xd9: {  	[timem:s3], [sflag:s2] =	dma.local @!p0 [hbm:s0], s1  }
0xda: {  	s0 =	simm.s32 @!p0 $0x3  }
0xdb: {  	_ =	swait.ge @!p0 [sflag:s0], s1  }
0xdc: {  	s1 =	ssub.s32 @!p0 $0x0, s1;
	[sflag:s0] =	ssyncset.done @!p0 $0x0  }
0xdd: {  	[sflag:s0] =	ssyncadd.s32 @!p0 s1  }
0xde: {  	[bflag:$0x3] =	sbarrier.arrive $0xFFFF  }
0xdf: {  	_ =	shalt  }

// kernel: kernel.9.cloned.1.call-start
scs
__scs_entry_jumppad:
0x0: {  	(pc) =	sbr.rel $0x88, $3  }
0x1: {  	(tag) =	ssettag $0x0;
	lr =	simm.s32 $0x1  }
0x2: {  	[smem:$0x3F9B] =	sst lr;
	_ =	strace $0xD0000000  }
0x3: {  	_ = 	snop  }
0x4: {  	_ = 	snop  }
0x5: {  	_ = 	snop  }
0x6: {  	_ = 	snop  }
0x7: {  	_ = 	snop  }
__scs_overlays_trampoline_lowered:
0x8: {  	[smem:$0x3FAA] =	sst s0  }
0x9: {  	[smem:$0x3FAB] =	sst s1  }
0xa: {  	[smem:$0x3FAC] =	sst s2  }
0xb: {  	[smem:$0x3FAD] =	sst s3  }
0xc: {  	[smem:$0x3FAE] =	sst s4  }
0xd: {  	[smem:$0x3FAF] =	sst s5  }
0xe: {  	[smem:$0x3FB0] =	sst s6  }
0xf: {  	[smem:$0x3FB1] =	sst s7  }
0x10: {  	[smem:$0x3FB2] =	sst s8  }
0x11: {  	[smem:$0x3FB3] =	sst s9;
	s0 =	simm.s32 @!p0 $0x0  }
0x12: {  	s1 =	sld [smem:$0x3F99];
	s0 =	simm.s32 @p0 $0x1  }
0x13: {  	[smem:$0x3FB4] =	sst s0;
	s0 =	simm.s32 @!p1 $0x0  }
0x14: {  	s2 =	sld [smem:$0x3F98];
	s0 =	simm.s32 @p1 $0x1  }
0x15: {  	[smem:$0x3FB5] =	sst s0;
	s0 =	simm.s32 @!p2 $0x0  }
0x16: {  	s3 =	sld [smem:$0x3FDB];
	s0 =	simm.s32 @p2 $0x1  }
0x17: {  	s4 =	simm.s32 $0x1BF5;
	[smem:$0x3FB7] =	sst s0  }
0x18: {  	s0 =	sld [smem:$0x3F9A];
	_ =	swait.ge [sflag:s4], $0x0  }
0x19: {  	s7 =	sld [smem:$0x3F9B]  }
0x1a: {  	s8 =	sadd.s32 $0xFFFFE003, lr  }
0x1b: {  	s9 =	sadd.s32 $0xFFFFFEF7, lr;
	s5 =	simm.s32 $0xFFFFFFFF;
	p2 =	slt.u32 s8, $0xFFFFF086  }
0x1c: {  	p1 =	slt.u32 s9, $0xF7A;
	s5 =	simm.s32 @!p2 $0x0  }
0x1d: {  	s5 =	simm.s32 @p1 $0x1;
	p0 =	seq.s32 s7, s2  }
0x1e: {  	s7 =	smul.u32 @!p0 $0xF7A, s2;
	p2 =	seq.s32 @!p0 s5, $0x0  }
0x1f: {  	s9 =	smul.u32 $0xF7A, s1;
	s8 =	simm.s32 @!p0 $0x1BF5;
	p2 =	por !p2, p0  }
0x20: {  	[sflag:s8] =	ssyncset.s32 @!p0 $0xFFFFF086;
	s6 =	sadd.s32 @!p0 s3, s7;
	s7 =	simm.s32 @!p0 $0x108  }
0x21: {  	s3 =	sadd.s32 s3, s9;
	s6 =	sadd.s32 @!p0 $0x88, s6;
	s7 =	simm.s32 @p2 $0x1082  }
0x22: {  	[simem:s7], [sflag:s8] =	dma.local @!p0 [hbm:s6], $0xF7A  }
0x23: {  	s9 =	sor.u32 $0xD0000000, s2;
	s6 =	simm.s32 $0x108;
	_ =	swait.ge @!p0 [sflag:s8], $0x0  }
0x24: {  	s3 =	sadd.s32 $0x88, s3;
	s6 =	simm.s32 @!p1 $0x1082;
	[sflag:s4] =	ssyncset.s32 $0xFFFFF086  }
0x25: {  	[simem:s6], [sflag:s4] =	dma.local [hbm:s3], $0xF7A  }
0x26: {  	[smem:$0x3F9B] =	sst s1;
	(tag) =	ssettag s2;
	_ =	strace s9  }
0x27: {  	s1 =	sld [smem:$0x3FAB]  }
0x28: {  	s2 =	sld [smem:$0x3FAC]  }
0x29: {  	s4 =	sld [smem:$0x3FAE]  }
0x2a: {  	p0 =	seq.s32 s5, $0x0;
	s5 =	sld [smem:$0x3FAF]  }
0x2b: {  	s6 =	sld [smem:$0x3FB0]  }
0x2c: {  	s7 =	sld [smem:$0x3FB1]  }
0x2d: {  	s3 =	simm.s32 $0x108;
	s8 =	sld [smem:$0x3FB2]  }
0x2e: {  	s3 =	simm.s32 @!p0 $0x1082;
	s9 =	sld [smem:$0x3FB3]  }
0x2f: {  	lr =	sadd.s32 s0, s3;
	s0 =	sld [smem:$0x3FAA]  }
0x30: {  	s3 =	sld [smem:$0x3FAD]  }
0x31: {  	[smem:$0x3FB6] =	sst s10  }
0x32: {  	s10 =	sld [smem:$0x3FB4];
	_ =	sdelay $0x3  }
0x33: {  	p0 =	seq.s32 s10, $0x1;
	s10 =	sld [smem:$0x3FB6];
	_ =	sdelay $0x3  }
0x34: {  	[smem:$0x3FB6] =	sst s10  }
0x35: {  	s10 =	sld [smem:$0x3FB5];
	_ =	sdelay $0x3  }
0x36: {  	p1 =	seq.s32 s10, $0x1;
	s10 =	sld [smem:$0x3FB6];
	_ =	sdelay $0x3  }
0x37: {  	[smem:$0x3FB6] =	sst s10  }
0x38: {  	s10 =	sld [smem:$0x3FB7]  }
0x39: {  	_ = 	snop;
	(pc) =	sbr.ind lr, $3  }
0x3a: {  	_ = 	snop  }
0x3b: {  	_ = 	snop  }
0x3c: {  	p2 =	seq.s32 s10, $0x1;
	s10 =	sld [smem:$0x3FB6]  }
0x3d: {  	_ =	shalt  }
0x3e: {  	_ =	shalt  }
0x3f: {  	_ =	shalt  }
0x40: {  	_ =	shalt  }
0x41: {  	_ =	shalt  }
0x42: {  	_ =	shalt  }
0x43: {  	_ =	shalt  }
0x44: {  	_ =	shalt  }
0x45: {  	_ =	shalt  }
0x46: {  	_ =	shalt  }
0x47: {  	_ =	shalt  }
0x48: {  	_ =	shalt  }
0x49: {  	_ =	shalt  }
0x4a: {  	_ =	shalt  }
0x4b: {  	_ =	shalt  }
0x4c: {  	_ =	shalt  }
0x4d: {  	_ =	shalt  }
0x4e: {  	_ =	shalt  }
0x4f: {  	_ =	shalt  }
0x50: {  	_ =	shalt  }
0x51: {  	_ =	shalt  }
0x52: {  	_ =	shalt  }
0x53: {  	_ =	shalt  }
0x54: {  	_ =	shalt  }
0x55: {  	_ =	shalt  }
0x56: {  	_ =	shalt  }
0x57: {  	_ =	shalt  }
0x58: {  	_ =	shalt  }
0x59: {  	_ =	shalt  }
0x5a: {  	_ =	shalt  }
0x5b: {  	_ =	shalt  }
0x5c: {  	_ =	shalt  }
0x5d: {  	_ =	shalt  }
0x5e: {  	_ =	shalt  }
0x5f: {  	_ =	shalt  }
0x60: {  	_ =	shalt  }
0x61: {  	_ =	shalt  }
0x62: {  	_ =	shalt  }
0x63: {  	_ =	shalt  }
0x64: {  	_ =	shalt  }
0x65: {  	_ =	shalt  }
0x66: {  	_ =	shalt  }
0x67: {  	_ =	shalt  }
0x68: {  	_ =	shalt  }
0x69: {  	_ =	shalt  }
0x6a: {  	_ =	shalt  }
0x6b: {  	_ =	shalt  }
0x6c: {  	_ =	shalt  }
0x6d: {  	_ =	shalt  }
0x6e: {  	_ =	shalt  }
0x6f: {  	_ =	shalt  }
0x70: {  	_ =	shalt  }
0x71: {  	_ =	shalt  }
0x72: {  	_ =	shalt  }
0x73: {  	_ =	shalt  }
0x74: {  	_ =	shalt  }
0x75: {  	_ =	shalt  }
0x76: {  	_ =	shalt  }
0x77: {  	_ =	shalt  }
0x78: {  	_ =	shalt  }
0x79: {  	_ =	shalt  }
0x7a: {  	_ =	shalt  }
0x7b: {  	_ =	shalt  }
0x7c: {  	_ =	shalt  }
0x7d: {  	_ =	shalt  }
0x7e: {  	_ =	shalt  }
0x7f: {  	_ =	shalt  }
0x80: {  	_ =	shalt  }
0x81: {  	_ =	shalt  }
0x82: {  	_ =	shalt  }
0x83: {  	_ =	shalt  }
0x84: {  	_ =	shalt  }
0x85: {  	_ =	shalt  }
0x86: {  	_ =	shalt  }
0x87: {  	_ =	shalt  }
.Lfunc_end0:
.L_simem_size_0:
called_computation.1_lowered:
.L_overlay_start_0:
0x88: {  	s2 =	sld [smem:$0x3FD9]  }
0x89: {  	s3 =	sld [smem:$0x3FFE];
	_ =	sdelay $0x1  }
0x8a: {  	s1 =	srdreg.scid  }
0x8b: {  	s0 =	sand.u32 $0x1, s1  }
0x8c: {  	s17 =	sshll.u32 s0, $0xA;
	s2 =	sadd.s32 s3, s2  }
0x8d: {  	s2 =	sadd.s32 s2, s17  }
0x8e: {  	[smem:$0x3FC2] =	sst s2  }
0x8f: {  	_ = 	snop  }
0x90: {  	s2 =	sld [smem:$0x3FD0];
	(tm) =	ssettm $0x1  }
0x91: {  	s18 =	sld [smem:$0x3FFB];
	_ =	sdelay $0x3  }
0x92: {  	_ =	strace s18  }
0x93: {  	s3 =	sld [smem:$0x3FFC];
	_ =	sdelay $0x3  }
0x94: {  	_ =	strace s3  }
0x95: {  	s3 =	sld [smem:$0x3FFD];
	_ =	sdelay $0x3  }
0x96: {  	_ =	strace s3  }
0x97: {  	_ =	strace $0x8FFFFFFF  }
0x98: {  	s19 =	sld [smem:$0x3FDB];
	_ =	sdelay $0x1  }
0x99: {  	s4 =	simm.s32 $_scs_section_size  }
0x9a: {  	s5 =	simm.s32 $_size__tile_overlayer_lowered;
	s6 =	simm.s32 $_tile_overlayer_lowered  }
0x9b: {  	s22 =	simm.s32 $0x1BFF;
	s21 =	sshll.u32 s6, $0x1;
	s3 =	sadd.s32 s4, s19  }
0x9c: {  	s7 =	simm.s32 $0x0;
	s20 =	sshll.u32 s5, $0x1;
	s5 =	sadd.s32 s21, s3  }
0x9d: {  	[timem:s7], [sflag:s22] =	dma.local [hbm:s5], s20  }
0x9e: {  	_ =	swait.ge [sflag:s22], s20  }
0x9f: {  	s4 =	ssub.s32 $0x0, s20;
	[sflag:s22] =	ssyncset.done $0x0  }
0xa0: {  	[sflag:s22] =	ssyncadd.s32 s4;
	_ =	sdelay $0x1  }
0xa1: {  	s23 =	simm.s32 $0x1B8B  }
0xa2: {  	_ =	swait.ge [sflag:s23], $0x1  }
0xa3: {  	[sflag:s23] =	ssyncset.done $0x0  }
0xa4: {  	s25 =	simm.s32 $0x1B8E;
	s24 =	sld [smem:$0x3FFE];
	[sflag:s23] =	ssyncadd.s32 $0xFFFFFFFF  }
0xa5: {  	s26 =	simm.s32 $execute0_lowered;
	[smem:$0x3FD2] =	sst s25  }
0xa6: {  	s5 =	sshll.u32 s26, $0x1;
	_ =	strace $0x80000049;
	[dreg:$0x1] =	wrdreg $0xFFFFFFFF  }
0xa7: {  	s28 =	simm.s32 $_size_execute0_lowered;
	s3 =	sadd.s32 s3, s5;
	[dreg:$0x0] =	wrdreg $0x0  }
0xa8: {  	s5 =	sshll.u32 s28, $0x1;
	[dreg:$0x2] =	wrdreg s3  }
0xa9: {  	[dreg:$0x3] =	wrdreg s5  }
0xaa: {  	[dreg:$0x4] =	wrdreg $0xC0  }
0xab: {  	_ =	task [dreg:s7], $0x5FFFF  }
0xac: {  	[dreg:$0x1] =	wrdreg $0xFFFFFFFF  }
0xad: {  	[dreg:$0x0] =	wrdreg $0x60  }
0xae: {  	[dreg:$0x2] =	wrdreg s2  }
0xaf: {  	[dreg:$0x3] =	wrdreg s24  }
0xb0: {  	[dreg:$0x4] =	wrdreg $0xE0000  }
0xb1: {  	[dreg:$0x5] =	wrdreg $0x9  }
0xb2: {  	_ =	task.clear_ibuf [dreg:s7], $0x6FFFF;
	_ =	strace $0x90000049  }
0xb3: {  	s29 =	simm.s32 $0x9;
	_ =	strace $0x8000004B  }
0xb4: {  	_ =	swait.ge [sflag:s29], $0x1  }
0xb5: {  	[sflag:s29] =	ssyncadd.s32 $0xFFFFFFFF  }
0xb6: {  	_ =	strace $0x9000004B  }
0xb7: {  	_ =	sfence  }
0xb8: {  	s30 =	sld [smem:$0x0];
	_ =	sdelay $0x2  }
0xb9: {  	s31 =	sshll.u32 s1, $0xD;
	s1 =	sshrl.u32 s1, $0x2  }
0xba: {  	s3 =	sand.u32 $0x4000, s31;
	s1 =	sadd.s32 s1, s30  }
0xbb: {  	s0 =	sor.u32 s3, s0;
	s1 =	sshll.u32 s1, $0x11  }
0xbc: {  	s0 =	sor.u32 s1, s0  }
0xbd: {  	s0 =	sadd.s32 $0x8F2B, s0  }
0xbe: {  	[sflag:s0] =	ssyncadd.remote.s32 $0x1  }
0xbf: {  	_ =	sfence.sel $0xFFFF  }
0xc0: {  	[dreg:$0x0] =	wrdreg $0xFFFFFFFF;
	(pc) =	sbr.abs _section_cstart, $3  }
0xc1: {  	[dreg:$0x1] =	wrdreg $0xFFFFFFFF  }
0xc2: {  	_ =	task.clear_ibuf [dreg:s7], $0x2FFFF;
	_ =	strace $0x9FFFFFFF  }
0xc3: {  	(tm) =	ssettm $0x7FFFFFFF  }
tec
execute0_lowered:
.L_overlay_start_1:
0x0: {  	(tag) =	ssettag $0x1  }
0x1: {  	s8 =	rddreg [dreg:$0x0]  }
0x2: {  	s5 =	rddreg [dreg:$0x1];
	s0 =	stileid.u32  }
0x3: {  	s1 =	srdreg.scid;
	s2 =	rddreg [dreg:$0x2];
	s3 =	simm.s32 $0x0  }
0x4: {  	s14 =	simm.s32 $0x80;
	s15 =	simm.s32 $0xA000;
	s16 =	simm.s32 $0xC000  }
0x5: {  	s17 =	simm.s32 $0x1;
	s18 =	simm.s32 $0x2;
	s19 =	simm.s32 $0x4F00  }
0x6: {  	s20 =	simm.s32 $0x9E00;
	s21 =	simm.s32 $0x4F80;
	s22 =	simm.s32 $0x9E80  }
0x7: {  	s23 =	simm.s32 $0x9F00;
	s24 =	simm.s32 $0x9F80;
	s25 =	simm.s32 $0x0  }
0x8: {  	s6 =	sand.u32 $0x1, s1;
	s7 =	smul.u32 $0x9E00, s0;
	s1 =	rddreg [dreg:$0x3]  }
0x9: {  	[smem:$0x7FF] =	sst s3;
	s9 =	smul.u32 $0xA00, s0;
	s31 =	sshll.u32 s0, $0x6  }
0xa: {  	s4 =	smul.u32 $0x9E000, s6;
	_ =	strace $0x8000004A;
	s10 =	ssub.s32 $0x2, s6  }
0xb: {  	s13 =	smul.u32 $0x13880, s6;
	s9 =	sadd.s32 s9, s5;
	s12 =	sshrl.u32 s10, $0x1  }
0xc: {  	s30 =	sadd.s32 s7, s2;
	s4 =	sadd.s32 s7, s4;
	s10 =	ssub.s32 s10, s12  }
0xd: {  	s6 =	sadd.s32 $0xBE00, s9;
	s7 =	sadd.s32 $0x1E00, s9;
	s8 =	sadd.s32 s8, s13  }
0xe: {  	s12 =	simm.s32 $0x3;
	s13 =	simm.s32 $0x5000;
	s11 =	sshrl.u32 s4, $0x3  }
0xf: {  	s4 =	sadd.s32 $0x16400, s5;
	s10 =	smax.u32 s10, $0x1;
	s11 =	sadd.s32 s11, s5  }
0x10: {  	s5 =	sor.u32 $0x1C03, s31;
	s9 =	sadd.s32 $0x66800, s11;
	s11 =	sshrl.u32 s30, $0x3  }
.LBB2_1:
0x11: {  	[spmem:s11], [sflag:s5] =	dma.local [hbm:s4], $0x13C0  }
0x12: {  	_ =	swait.ge [sflag:s12], $0x13C0  }
0x13: {  	[sflag:s12] =	ssyncset.done $0x0  }
0x14: {  	[sflag:s12] =	ssyncadd.s32 $0xFFFFEC40  }
0x15: {  	[tilespmem:s3], [sflag:$0x3] =	stream.linear.gather [hbm4b:s6+s3], $0x5000, $0x38;
	[tilespmem:$0x17E00] =	vst v63  }
0x16: {  	_ =	swait.ge [sflag:s12], $0x5000  }
0x17: {  	[sflag:s12] =	ssyncset.done $0x0  }
0x18: {  	[sflag:s12] =	ssyncadd.s32 $0xFFFFB000  }
0x19: {  	[tilespmem:s13], [sflag:$0x3] =	stream.linear.gather [hbm4b:s7+s3], $0x5000, $0x38;
	[tilespmem:$0x17E00] =	vst v63  }
0x1a: {  	_ =	swait.ge [sflag:s12], $0x5000  }
0x1b: {  	[sflag:s12] =	ssyncset.done $0x0  }
0x1c: {  	[sflag:s12] =	ssyncadd.s32 $0xFFFFB000  }
0x1d: {  	[bflag:$0x0] =	sbarrier.arrive $0xFFFF  }
0x1e: {  	[tilespmem:s15], [sflag:$0x1] =	stream.indirect.gather [hbm4b:s8+s14], $0x40, s3, s14, $0xb8;
	[tilespmem:$0x17E00] =	vst v63  }
0x1f: {  	_ = 	snop  }
0x20: {  	[tilespmem:s16], [sflag:$0x2] =	stream.indirect.gather [hbm4b:s8+s14], $0x40, s14, s14, $0xb8;
	[tilespmem:$0x17E00] =	vst v63  }
0x21: {  	_ =	swait.ge [sflag:s17], $0x2000  }
0x22: {  	[sflag:s17] =	ssyncset.done $0x0  }
0x23: {  	s26 =	simm.s32 $0x100;
	[sflag:s17] =	ssyncadd.s32 $0xFFFFE000  }
0x24: {  	[tilespmem:s15], [sflag:$0x1] =	stream.indirect.gather [hbm4b:s8+s14], $0x40, s26, s14, $0xb8;
	[tilespmem:$0x17E00] =	vst v63  }
0x25: {  	s31 =	simm.s32 $0x5000  }
0x26: {  	[spmem:s2] =	stream.indirect.scatter.add.f32 [tilespmem:s15], [sflag:$0x3], $0x40, s31, s14, $0xb8;
	[tilespmem:$0x17E00] =	vst v63  }
0x27: {  	_ =	swait.ge [sflag:s12], $0x2000  }
0x28: {  	[sflag:s12] =	ssyncset.done $0x0  }
0x29: {  	[sflag:s12] =	ssyncadd.s32 $0xFFFFE000  }
0x2a: {  	_ =	swait.ge [sflag:s18], $0x2000  }
0x2b: {  	[sflag:s18] =	ssyncset.done $0x0  }
0x2c: {  	s29 =	simm.s32 $0x180;
	[sflag:s18] =	ssyncadd.s32 $0xFFFFE000  }
0x2d: {  	[tilespmem:s16], [sflag:$0x2] =	stream.indirect.gather [hbm4b:s8+s14], $0x40, s29, s14, $0xb8;
	[tilespmem:$0x17E00] =	vst v63  }
0x2e: {  	s30 =	simm.s32 $0x5080  }
0x2f: {  	[spmem:s2] =	stream.indirect.scatter.add.f32 [tilespmem:s16], [sflag:$0x3], $0x40, s30, s14, $0xb8;
	[tilespmem:$0x17E00] =	vst v63  }
0x30: {  	_ =	swait.ge [sflag:s12], $0x2000  }
0x31: {  	[sflag:s12] =	ssyncset.done $0x0  }
0x32: {  	[sflag:s12] =	ssyncadd.s32 $0xFFFFE000  }
0x33: {  	_ =	swait.ge [sflag:s17], $0x2000  }
0x34: {  	[sflag:s17] =	ssyncset.done $0x0  }
0x35: {  	s31 =	simm.s32 $0x200;
	[sflag:s17] =	ssyncadd.s32 $0xFFFFE000  }
0x36: {  	[tilespmem:s15], [sflag:$0x1] =	stream.indirect.gather [hbm4b:s8+s14], $0x40, s31, s14, $0xb8;
	[tilespmem:$0x17E00] =	vst v63  }
0x37: {  	s29 =	simm.s32 $0x5100  }
0x38: {  	[spmem:s2] =	stream.indirect.scatter.add.f32 [tilespmem:s15], [sflag:$0x3], $0x40, s29, s14, $0xb8;
	[tilespmem:$0x17E00] =	vst v63  }
0x39: {  	_ =	swait.ge [sflag:s12], $0x2000  }
0x3a: {  	[sflag:s12] =	ssyncset.done $0x0  }
0x3b: {  	[sflag:s12] =	ssyncadd.s32 $0xFFFFE000  }
0x3c: {  	_ =	swait.ge [sflag:s18], $0x2000  }
0x3d: {  	[sflag:s18] =	ssyncset.done $0x0  }
0x3e: {  	s30 =	simm.s32 $0x280;
	[sflag:s18] =	ssyncadd.s32 $0xFFFFE000  }
0x3f: {  	[tilespmem:s16], [sflag:$0x2] =	stream.indirect.gather [hbm4b:s8+s14], $0x40, s30, s14, $0xb8;
	[tilespmem:$0x17E00] =	vst v63  }
0x40: {  	s31 =	simm.s32 $0x5180  }
0x41: {  	[spmem:s2] =	stream.indirect.scatter.add.f32 [tilespmem:s16], [sflag:$0x3], $0x40, s31, s14, $0xb8;
	[tilespmem:$0x17E00] =	vst v63  }
0x42: {  	_ =	swait.ge [sflag:s12], $0x2000  }
0x43: {  	s28 =	simm.s32 $0x0;
	s26 =	simm.s32 $0x0;
	[sflag:s12] =	ssyncset.done $0x0  }
.LBB2_2:
0x44: {  	s26 =	sadd.s32 $0x2, s26;
	[sflag:s12] =	ssyncadd.s32 $0xFFFFE000;
	s28 =	sadd.s32 $0x800, s28  }
0x45: {  	p0 =	slt.u32 s26, $0x4C  }
0x46: {  	_ =	swait.ge [sflag:s17], $0x2000  }
0x47: {  	s29 =	sshra.s32 s28, $0x2;
	[sflag:s17] =	ssyncset.done $0x0  }
0x48: {  	s30 =	sadd.s32 $0x100, s29;
	[sflag:s17] =	ssyncadd.s32 $0xFFFFE000  }
0x49: {  	[tilespmem:s15], [sflag:$0x1] =	stream.indirect.gather [hbm4b:s8+s14], $0x40, s30, s14, $0xb8;
	[tilespmem:$0x17E00] =	vst v63  }
0x4a: {  	s30 =	sadd.s32 $0x5000, s29  }
0x4b: {  	[spmem:s2] =	stream.indirect.scatter.add.f32 [tilespmem:s15], [sflag:$0x3], $0x40, s30, s14, $0xb8;
	[tilespmem:$0x17E00] =	vst v63  }
0x4c: {  	_ =	swait.ge [sflag:s12], $0x2000  }
0x4d: {  	[sflag:s12] =	ssyncset.done $0x0  }
0x4e: {  	[sflag:s12] =	ssyncadd.s32 $0xFFFFE000  }
0x4f: {  	_ =	swait.ge [sflag:s18], $0x2000  }
0x50: {  	[sflag:s18] =	ssyncset.done $0x0  }
0x51: {  	s30 =	sadd.s32 $0x180, s29;
	[sflag:s18] =	ssyncadd.s32 $0xFFFFE000  }
0x52: {  	[tilespmem:s16], [sflag:$0x2] =	stream.indirect.gather [hbm4b:s8+s14], $0x40, s30, s14, $0xb8;
	[tilespmem:$0x17E00] =	vst v63  }
0x53: {  	s30 =	sadd.s32 $0x5080, s29  }
0x54: {  	[spmem:s2] =	stream.indirect.scatter.add.f32 [tilespmem:s16], [sflag:$0x3], $0x40, s30, s14, $0xb8;
	[tilespmem:$0x17E00] =	vst v63  }
0x55: {  	_ =	swait.ge [sflag:s12], $0x2000  }
0x56: {  	[sflag:s12] =	ssyncset.done $0x0  }
0x57: {  	[sflag:s12] =	ssyncadd.s32 $0xFFFFE000  }
0x58: {  	_ =	swait.ge [sflag:s17], $0x2000  }
0x59: {  	[sflag:s17] =	ssyncset.done $0x0  }
0x5a: {  	s30 =	sadd.s32 $0x200, s29;
	[sflag:s17] =	ssyncadd.s32 $0xFFFFE000  }
0x5b: {  	[tilespmem:s15], [sflag:$0x1] =	stream.indirect.gather [hbm4b:s8+s14], $0x40, s30, s14, $0xb8;
	[tilespmem:$0x17E00] =	vst v63  }
0x5c: {  	s30 =	sadd.s32 $0x5100, s29  }
0x5d: {  	[spmem:s2] =	stream.indirect.scatter.add.f32 [tilespmem:s15], [sflag:$0x3], $0x40, s30, s14, $0xb8;
	[tilespmem:$0x17E00] =	vst v63  }
0x5e: {  	_ =	swait.ge [sflag:s12], $0x2000  }
0x5f: {  	[sflag:s12] =	ssyncset.done $0x0  }
0x60: {  	[sflag:s12] =	ssyncadd.s32 $0xFFFFE000  }
0x61: {  	_ =	swait.ge [sflag:s18], $0x2000  }
0x62: {  	[sflag:s18] =	ssyncset.done $0x0  }
0x63: {  	s30 =	sadd.s32 $0x280, s29;
	[sflag:s18] =	ssyncadd.s32 $0xFFFFE000  }
0x64: {  	[tilespmem:s16], [sflag:$0x2] =	stream.indirect.gather [hbm4b:s8+s14], $0x40, s30, s14, $0xb8;
	[tilespmem:$0x17E00] =	vst v63  }
.Ltmp0:
0x65: {  	_ = 	snop;
	(pc) =	sbr.rel @p0 .LBB2_2-.Ltmp0, $4  }
0x66: {  	s29 =	sadd.s32 $0x5180, s29  }
0x67: {  	[spmem:s2] =	stream.indirect.scatter.add.f32 [tilespmem:s16], [sflag:$0x3], $0x40, s29, s14, $0xb8;
	[tilespmem:$0x17E00] =	vst v63  }
0x68: {  	_ =	swait.ge [sflag:s12], $0x2000  }
0x69: {  	[sflag:s12] =	ssyncset.done $0x0  }
0x6a: {  	[sflag:s12] =	ssyncadd.s32 $0xFFFFE000  }
0x6b: {  	_ =	swait.ge [sflag:s17], $0x2000  }
0x6c: {  	[sflag:s17] =	ssyncset.done $0x0  }
0x6d: {  	[sflag:s17] =	ssyncadd.s32 $0xFFFFE000  }
0x6e: {  	[tilespmem:s15], [sflag:$0x1] =	stream.indirect.gather [hbm4b:s8+s14], $0x40, s19, s14, $0xb8;
	[tilespmem:$0x17E00] =	vst v63  }
0x6f: {  	_ = 	snop  }
0x70: {  	[spmem:s2] =	stream.indirect.scatter.add.f32 [tilespmem:s15], [sflag:$0x3], $0x40, s20, s14, $0xb8;
	[tilespmem:$0x17E00] =	vst v63  }
0x71: {  	_ =	swait.ge [sflag:s12], $0x2000  }
0x72: {  	[sflag:s12] =	ssyncset.done $0x0  }
0x73: {  	[sflag:s12] =	ssyncadd.s32 $0xFFFFE000  }
0x74: {  	_ =	swait.ge [sflag:s18], $0x2000  }
0x75: {  	[sflag:s18] =	ssyncset.done $0x0  }
0x76: {  	[sflag:s18] =	ssyncadd.s32 $0xFFFFE000  }
0x77: {  	[tilespmem:s16], [sflag:$0x2] =	stream.indirect.gather [hbm4b:s8+s14], $0x40, s21, s14, $0xb8;
	[tilespmem:$0x17E00] =	vst v63  }
0x78: {  	_ = 	snop  }
0x79: {  	[spmem:s2] =	stream.indirect.scatter.add.f32 [tilespmem:s16], [sflag:$0x3], $0x40, s22, s14, $0xb8;
	[tilespmem:$0x17E00] =	vst v63  }
0x7a: {  	_ =	swait.ge [sflag:s12], $0x2000  }
0x7b: {  	[sflag:s12] =	ssyncset.done $0x0  }
0x7c: {  	[sflag:s12] =	ssyncadd.s32 $0xFFFFE000  }
0x7d: {  	_ =	swait.ge [sflag:s17], $0x2000  }
0x7e: {  	[sflag:s17] =	ssyncset.done $0x0  }
0x7f: {  	[sflag:s17] =	ssyncadd.s32 $0xFFFFE000  }
0x80: {  	[spmem:s2] =	stream.indirect.scatter.add.f32 [tilespmem:s15], [sflag:$0x3], $0x40, s23, s14, $0xb8;
	[tilespmem:$0x17E00] =	vst v63  }
0x81: {  	_ =	swait.ge [sflag:s12], $0x2000  }
0x82: {  	[sflag:s12] =	ssyncset.done $0x0  }
0x83: {  	[sflag:s12] =	ssyncadd.s32 $0xFFFFE000  }
0x84: {  	_ =	swait.ge [sflag:s18], $0x2000  }
0x85: {  	[sflag:s18] =	ssyncset.done $0x0  }
0x86: {  	[sflag:s18] =	ssyncadd.s32 $0xFFFFE000  }
0x87: {  	[spmem:s2] =	stream.indirect.scatter.add.f32 [tilespmem:s16], [sflag:$0x3], $0x40, s24, s14, $0xb8;
	[tilespmem:$0x17E00] =	vst v63  }
0x88: {  	_ =	swait.ge [sflag:s12], $0x2000  }
0x89: {  	s25 =	sadd.s32 $0x1, s25;
	[sflag:s12] =	ssyncset.done $0x0  }
0x8a: {  	p0 =	sne.s32 s25, s10;
	[sflag:s12] =	ssyncadd.s32 $0xFFFFE000  }
.Ltmp1:
0x8b: {  	[bflag:$0x0] =	sbarrier.arrive $0xFFFF;
	(pc) =	sbr.rel @p0 .LBB2_1-.Ltmp1, $4  }
0x8c: {  	[hbm:s9], [sflag:s5] =	dma.local [spmem:s11], $0x13C0  }
0x8d: {  	_ =	swait.ge [sflag:s12], $0x13C0  }
0x8e: {  	[sflag:s12] =	ssyncset.done $0x0  }
0x8f: {  	[sflag:s12] =	ssyncadd.s32 $0xFFFFEC40  }
0x90: {  	_ =	sfence.sel $0x180000  }
0x91: {  	[bflag:$0x0] =	sbarrier.arrive $0xFFFF  }
0x92: {  	p0 =	sne.s32 s0, $0x0;
	_ =	strace $0x9000004A  }
0x93: {  	s0 =	sadd.s32 @!p0 $0x100000, s1;
	[bflag:$0x2] =	sbarrier.arrive $0xFFFF  }
0x94: {  	[sflag:s0] =	ssyncadd.tile.s32 @!p0 $0x1;
	_ =	shalt  }
.Lfunc_end2:
_tile_overlayer_lowered:
.L_overlay_start_2:
0x95: {  	(tag) =	ssettag $0x2  }
0x96: {  	s0 =	rddreg [dreg:$0x0];
	s2 =	stileid.u32  }
0x97: {  	s1 =	rddreg [dreg:$0x1];
	p0 =	sne.s32 s2, $0x0  }
0x98: {  	s3 =	rddreg [dreg:$0x2];
	[bflag:$0x3] =	sbarrier.arrive $0xFFFF;
	s2 =	simm.s32 @!p0 $0x1C03  }
0x99: {  	[timem:s3], [sflag:s2] =	dma.local @!p0 [hbm:s0], s1  }
0x9a: {  	s0 =	simm.s32 @!p0 $0x3  }
0x9b: {  	_ =	swait.ge @!p0 [sflag:s0], s1  }
0x9c: {  	s1 =	ssub.s32 @!p0 $0x0, s1;
	[sflag:s0] =	ssyncset.done @!p0 $0x0  }
0x9d: {  	[sflag:s0] =	ssyncadd.s32 @!p0 s1  }
0x9e: {  	[bflag:$0x3] =	sbarrier.arrive $0xFFFF  }
0x9f: {  	_ =	shalt  }

</sc_bundles>
